<compile_context>
chip_gen: v7x
topology: tpu7x:2x2x1
jax: 0.10.2.dev20260603
libtpu: 0.0.44.dev20260713+nightly
codegen_flags: <defaults>
</compile_context>

<pallas_src>
import functools

import jax
import jax.numpy as jnp
from jax import lax
from jax.experimental import pallas as pl
from jax.experimental.pallas import tpu as pltpu
from jax.experimental.pallas import tpu_sc as plsc

NN = 10000
EE = 320000
CC = 128
HH = 32
AA = 8

NC = 2
NS = 16
NW = NC * NS
CHUNK = 128
NCH = 79
EPW = NCH * CHUNK
EPAD = NW * EPW
RPT = 632
NPAD = NS * RPT
RB = 1024
GRID = 10

_mesh = plsc.VectorSubcoreMesh(core_axis_name="c", subcore_axis_name="s",
                               num_cores=NC, num_subcores=NS)


def _deg_body(col_hbm, out_hbm, colv, onesv, bounce, deg_sh):
    c = lax.axis_index("c")
    s = lax.axis_index("s")
    w = s * NC + c
    for i in range(CHUNK // 16):
        onesv[pl.ds(i * 16, 16)] = jnp.ones((16,), jnp.float32)
    for i in range(640 // 16):
        bounce[pl.ds(i * 16, 16)] = jnp.zeros((16,), jnp.float32)
    pltpu.sync_copy(bounce.at[pl.ds(0, RPT)], deg_sh.at[pl.ds(s * RPT, RPT)])
    plsc.subcore_barrier()
    pltpu.sync_copy(col_hbm.at[w], colv)

    def body(j, carry):
        pltpu.sync_copy(onesv, deg_sh.at[colv.at[j]], add=True)
        return carry

    lax.fori_loop(0, NCH, body, 0)
    plsc.subcore_barrier()
    pltpu.sync_copy(deg_sh.at[pl.ds(s * RPT, RPT)], bounce.at[pl.ds(0, RPT)])
    pltpu.sync_copy(bounce.at[pl.ds(0, RPT)],
                    out_hbm.at[pl.ds(c * NPAD + s * RPT, RPT)])


_sc_deg = pl.kernel(
    _deg_body,
    out_type=jax.ShapeDtypeStruct((NC * NPAD,), jnp.float32),
    mesh=_mesh,
    scratch_types=[
        pltpu.VMEM((NCH, CHUNK), jnp.int32),
        pltpu.VMEM((CHUNK,), jnp.float32),
        pltpu.VMEM((640,), jnp.float32),
        pltpu.VMEM_SHARED((NPAD,), jnp.float32),
    ],
)


ACH = 256
BCH = 112
PAIR = ACH + BCH
NPAIR = 28
EPAD2 = NW * NPAIR * PAIR


def _seg_body(y_hbm, row_hbm, col_hbm, out_hbm, ridx0, cidx0, ridx1, cidx1,
              gbuf0, gbuf1, acc_sh, sg0, sg1, si0, si1, sj0, sj1):
    c = lax.axis_index("c")
    s = lax.axis_index("s")
    w = s * NC + c

    def zb(i, carry):
        for t in range(CC // 16):
            gbuf0[i, pl.ds(t * 16, 16)] = jnp.zeros((16,), jnp.float32)
        return carry

    lax.fori_loop(0, CHUNK, zb, 0)
    for t in range(4):
        pltpu.sync_copy(gbuf0.at[pl.ds(0, CHUNK)],
                        acc_sh.at[pl.ds(s * RPT + t * CHUNK, CHUNK)])
    pltpu.sync_copy(gbuf0.at[pl.ds(0, RPT - 4 * CHUNK)],
                    acc_sh.at[pl.ds(s * RPT + 4 * CHUNK, RPT - 4 * CHUNK)])
    plsc.subcore_barrier()

    rows = row_hbm.at[w]
    cols = col_hbm.at[w]

    def asrc(ref, k):
        return ref.at[k].at[pl.ds(0, ACH)]

    def bsrc(ref, k):
        return ref.at[k].at[pl.ds(ACH, BCH)]

    pltpu.sync_copy(asrc(rows, 0), ridx0)
    pltpu.sync_copy(asrc(cols, 0), cidx0)
    pltpu.sync_copy(bsrc(rows, 0), ridx1)
    pltpu.sync_copy(bsrc(cols, 0), cidx1)
    pltpu.async_copy(y_hbm.at[ridx0], gbuf0, sg0)
    pltpu.async_copy(y_hbm.at[ridx1], gbuf1, sg1)

    def body(k, carry):
        pltpu.make_async_copy(y_hbm.at[ridx0], gbuf0, sg0).wait()

        @pl.when(k + 1 < NPAIR)
        def _():
            pltpu.async_copy(asrc(rows, k + 1), ridx0, si0)

        pltpu.sync_copy(gbuf0, acc_sh.at[cidx0], add=True)

        @pl.when(k + 1 < NPAIR)
        def _():
            pltpu.async_copy(asrc(cols, k + 1), cidx0, sj0)
            pltpu.make_async_copy(asrc(rows, k + 1), ridx0, si0).wait()
            pltpu.async_copy(y_hbm.at[ridx0], gbuf0, sg0)
            pltpu.make_async_copy(asrc(cols, k + 1), cidx0, sj0).wait()

        pltpu.make_async_copy(y_hbm.at[ridx1], gbuf1, sg1).wait()

        @pl.when(k + 1 < NPAIR)
        def _():
            pltpu.async_copy(bsrc(rows, k + 1), ridx1, si1)

        pltpu.sync_copy(gbuf1, acc_sh.at[cidx1], add=True)

        @pl.when(k + 1 < NPAIR)
        def _():
            pltpu.async_copy(bsrc(cols, k + 1), cidx1, sj1)
            pltpu.make_async_copy(bsrc(rows, k + 1), ridx1, si1).wait()
            pltpu.async_copy(y_hbm.at[ridx1], gbuf1, sg1)
            pltpu.make_async_copy(bsrc(cols, k + 1), cidx1, sj1).wait()

        return carry

    lax.fori_loop(0, NPAIR, body, 0)
    plsc.subcore_barrier()

    for t in range(2):
        base = s * RPT + t * ACH
        pltpu.sync_copy(acc_sh.at[pl.ds(base, ACH)], gbuf0)
        pltpu.sync_copy(gbuf0, out_hbm.at[pl.ds(c * NPAD + base, ACH)])
    base = s * RPT + 2 * ACH
    tail = RPT - 2 * ACH
    pltpu.sync_copy(acc_sh.at[pl.ds(base, tail)], gbuf0.at[pl.ds(0, tail)])
    pltpu.sync_copy(gbuf0.at[pl.ds(0, tail)],
                    out_hbm.at[pl.ds(c * NPAD + base, tail)])


_sc_segsum = pl.kernel(
    _seg_body,
    out_type=jax.ShapeDtypeStruct((NC * NPAD, CC), jnp.float32),
    mesh=_mesh,
    scratch_types=[
        pltpu.VMEM((ACH,), jnp.int32),
        pltpu.VMEM((ACH,), jnp.int32),
        pltpu.VMEM((BCH,), jnp.int32),
        pltpu.VMEM((BCH,), jnp.int32),
        pltpu.VMEM((ACH, CC), jnp.float32),
        pltpu.VMEM((BCH, CC), jnp.float32),
        pltpu.VMEM_SHARED((NPAD, CC), jnp.float32),
        pltpu.SemaphoreType.DMA,
        pltpu.SemaphoreType.DMA,
        pltpu.SemaphoreType.DMA,
        pltpu.SemaphoreType.DMA,
        pltpu.SemaphoreType.DMA,
        pltpu.SemaphoreType.DMA,
    ],
)


def _xw_body(state_ref, w_ref, deg_ref, y_ref):
    xw = jnp.dot(state_ref[...], w_ref[...], preferred_element_type=jnp.float32)
    dis = lax.rsqrt(deg_ref[0] + deg_ref[1] + 1.0)
    y_ref[...] = xw * dis


def _tc_xw(state, W, deg3):
    return pl.pallas_call(
        _xw_body,
        grid=(GRID,),
        in_specs=[
            pl.BlockSpec((RB, CC), lambda i: (i, 0)),
            pl.BlockSpec((CC, CC), lambda i: (0, 0)),
            pl.BlockSpec((NC, RB, 1), lambda i: (0, i, 0)),
        ],
        out_specs=pl.BlockSpec((RB, CC), lambda i: (i, 0)),
        out_shape=jax.ShapeDtypeStruct((NN, CC), jnp.float32),
    )(state, W, deg3)


def _mlp_body(acc_ref, y_ref, state_ref, deg_ref, b_ref, w1_ref, b1_ref,
              w2_ref, b2_ref, w3_ref, b3_ref, conc_ref):
    dis = lax.rsqrt(deg_ref[0] + deg_ref[1] + 1.0)
    agg = acc_ref[0] + acc_ref[1] + y_ref[...]
    out = jnp.maximum(dis * agg + b_ref[...], 0.0) + state_ref[...]
    h = jnp.dot(out, w1_ref[...], preferred_element_type=jnp.float32) + b1_ref[...]
    h = jax.nn.leaky_relu(h)
    h = jnp.dot(h, w2_ref[...], preferred_element_type=jnp.float32) + b2_ref[...]
    h = jax.nn.leaky_relu(h)
    z = jnp.dot(h, w3_ref[...], preferred_element_type=jnp.float32) + b3_ref[...]
    conc_ref[...] = jax.nn.softplus(z) + 1e-20


def _tc_mlp(acc3, y, state, deg3, b2d, w1, b1d, w2, b2d_, w3, b3d):
    return pl.pallas_call(
        _mlp_body,
        grid=(GRID,),
        in_specs=[
            pl.BlockSpec((NC, RB, CC), lambda i: (0, i, 0)),
            pl.BlockSpec((RB, CC), lambda i: (i, 0)),
            pl.BlockSpec((RB, CC), lambda i: (i, 0)),
            pl.BlockSpec((NC, RB, 1), lambda i: (0, i, 0)),
            pl.BlockSpec((1, CC), lambda i: (0, 0)),
            pl.BlockSpec((CC, HH), lambda i: (0, 0)),
            pl.BlockSpec((1, HH), lambda i: (0, 0)),
            pl.BlockSpec((HH, HH), lambda i: (0, 0)),
            pl.BlockSpec((1, HH), lambda i: (0, 0)),
            pl.BlockSpec((HH, 1), lambda i: (0, 0)),
            pl.BlockSpec((1, 1), lambda i: (0, 0)),
        ],
        out_specs=pl.BlockSpec((RB, 1), lambda i: (i, 0)),
        out_shape=jax.ShapeDtypeStruct((NN, 1), jnp.float32),
    )(acc3, y, state, deg3, b2d, w1, b1d, w2, b2d_, w3, b3d)


def _lanczos_gammaln(x):
    z = x + 2.0
    a = jnp.full_like(z, 0.99999999999980993)
    for k, ck in enumerate((676.5203681218851, -1259.1392167224028,
                            771.32342877765313, -176.61502916214059,
                            12.507343278686905, -0.13857109526572012,
                            9.9843695780195716e-6, 1.5056327351493116e-7)):
        a = a + ck / (z + float(k))
    t = z + 6.5
    res = 0.91893853320467274 + (z - 0.5) * jnp.log(t) - t + jnp.log(a)
    return res - jnp.log(x) - jnp.log(x + 1.0)


def _dir_body(g_ref, conc_ref, act_ref, lp_ref):
    g = g_ref[...]
    conc = conc_ref[...]
    action = g / jnp.sum(g, axis=1, keepdims=True)
    act_ref[...] = action
    lp = jnp.sum((conc - 1.0) * jnp.log(action), axis=1, keepdims=True)
    lp = lp + _lanczos_gammaln(jnp.sum(conc, axis=1, keepdims=True))
    lp = lp - jnp.sum(_lanczos_gammaln(conc), axis=1, keepdims=True)
    lp_ref[...] = lp


def _tc_dirichlet(g, conc2):
    return pl.pallas_call(
        _dir_body,
        out_shape=[
            jax.ShapeDtypeStruct((NN // AA, AA), jnp.float32),
            jax.ShapeDtypeStruct((NN // AA, 1), jnp.float32),
        ],
    )(g, conc2)


def kernel(state, edge_index, W, b, w1, b1, w2, b2, w3, b3):
    row = edge_index[0]
    col = edge_index[1]
    col_d = jnp.concatenate([col, jnp.full((EPAD - EE,), NN, col.dtype)])
    col_d = col_d.reshape(NW, NCH, CHUNK)
    row_g = jnp.concatenate([row, jnp.zeros((EPAD2 - EE,), row.dtype)])
    col_g = jnp.concatenate([col, jnp.full((EPAD2 - EE,), NN, col.dtype)])
    row_g = row_g.reshape(NW, NPAIR, PAIR)
    col_g = col_g.reshape(NW, NPAIR, PAIR)

    deg2 = _sc_deg(col_d)
    deg3 = deg2.reshape(NC, NPAD, 1)
    y = _tc_xw(state, W, deg3)
    acc = _sc_segsum(y, row_g, col_g)
    acc3 = acc.reshape(NC, NPAD, CC)
    conc = _tc_mlp(acc3, y, state, deg3, b.reshape(1, CC), w1,
                   b1.reshape(1, HH), w2, b2.reshape(1, HH), w3,
                   b3.reshape(1, 1))
    conc2 = conc.reshape(NN // AA, AA)
    g = jax.random.gamma(jax.random.key(42), conc2)
    action, lp = _tc_dirichlet(g, conc2)
    return action, lp.reshape(NN // AA)

# --- scband reference (transcript-rebuilt; emitter-appended) ---
"""Pipeline reference for scband-rsac-32796370273075 (READ-ONLY COPY).

The authoritative reference and input builder live on the scoring server;
editing this copy changes nothing except your own understanding.
"""

import jax, jax.numpy as jnp
import numpy as np
from jax.scipy.special import gammaln

N = 10000
E = 320000
C = 128
H = 32
A = 8


def setup_inputs(seed: int = 0) -> dict:
    key = jax.random.key(seed)
    ks = jax.random.split(key, 10)
    state = jax.random.normal(ks[0], (N, C), dtype=jnp.float32)
    edge_index = jax.random.randint(ks[1], (2, E), 0, N, dtype=jnp.int32)
    W = jax.random.normal(ks[2], (C, C), dtype=jnp.float32) * (1.0 / np.sqrt(C))
    b = jnp.zeros((C,), dtype=jnp.float32)
    w1 = jax.random.normal(ks[3], (C, H), dtype=jnp.float32) * (1.0 / np.sqrt(C))
    b1 = jnp.zeros((H,), dtype=jnp.float32)
    w2 = jax.random.normal(ks[4], (H, H), dtype=jnp.float32) * (1.0 / np.sqrt(H))
    b2 = jnp.zeros((H,), dtype=jnp.float32)
    w3 = jax.random.normal(ks[5], (H, 1), dtype=jnp.float32) * (1.0 / np.sqrt(H))
    b3 = jnp.zeros((1,), dtype=jnp.float32)
    return {"state": state, "edge_index": edge_index, "W": W, "b": b,
            "w1": w1, "b1": b1, "w2": w2, "b2": b2, "w3": w3, "b3": b3}


def _gcn_conv(x, edge_index, W, b):
    # torch_geometric GCNConv: add self-loops, symmetric deg^{-1/2} normalization,
    # out = D^{-1/2} (A + I) D^{-1/2} X W + b
    n = x.shape[0]
    xw = x @ W
    loop = jnp.arange(n, dtype=edge_index.dtype)
    row = jnp.concatenate([edge_index[0], loop])
    col = jnp.concatenate([edge_index[1], loop])
    deg = jnp.zeros((n,), dtype=x.dtype).at[col].add(1.0)
    dis = jnp.where(deg > 0, deg ** -0.5, 0.0)
    norm = dis[row] * dis[col]
    out = jnp.zeros_like(xw).at[col].add(norm[:, None] * xw[row])
    return out + b


def reference(state, edge_index, W, b, w1, b1, w2, b2, w3, b3):
    out = jax.nn.relu(_gcn_conv(state, edge_index, W, b))
    x = out + state
    x = x.reshape(-1, A, C)
    x = jax.nn.leaky_relu(x @ w1 + b1)
    x = jax.nn.leaky_relu(x @ w2 + b2)
    x = jax.nn.softplus(x @ w3 + b3)
    conc = jnp.squeeze(x, -1) + 1e-20  # [N/A, A]
    # Dirichlet rsample via reparameterized gamma (implicit reparam in jax)
    skey = jax.random.key(42)
    g = jax.random.gamma(skey, conc)
    action = g / jnp.sum(g, axis=-1, keepdims=True)
    log_prob = (jnp.sum((conc - 1.0) * jnp.log(action), axis=-1)
                + gammaln(jnp.sum(conc, axis=-1))
                - jnp.sum(gammaln(conc), axis=-1))
    return (action, log_prob)

if __name__ == "__main__":
    import jax
    _d = setup_inputs()
    print(jax.jit(kernel)(*tuple(_d.values())))

</pallas_src>

<mosaic_0001>
#map = affine_map<(d0, d1) -> (0, 0, 0)>
#map1 = affine_map<(d0, d1) -> (0)>
module attributes {stable_mosaic.version = 14 : i64} {
  func.func @_deg_body(%arg0: i32, %arg1: i32, %arg2: memref<32x79x128xi32, #tpu.memory_space<hbm>>, %arg3: memref<20224xf32, #tpu.memory_space<hbm>>, %arg4: memref<79x128xi32, #tpu.memory_space<vmem>>, %arg5: memref<128xf32, #tpu.memory_space<vmem>>, %arg6: memref<640xf32, #tpu.memory_space<vmem>>, %arg7: memref<10112xf32, #tpu.memory_space<vmem_shared>>) attributes {dimension_semantics = [#tpu.dimension_semantics<core_parallel>, #tpu.dimension_semantics<subcore_parallel>], iteration_bounds = array<i64: 2, 16>, scalar_prefetch = 0 : i64, scratch_operands = 4 : i64, tpu.core_type = #tpu.core_type<sc_vector_subcore>, window_params = [{transform_indices = #map}, {transform_indices = #map1}]} {
    %mul3A = arith.constant 2 : i32
    %mul3A_0 = arith.muli %arg1, %mul3A : i32
    %add3A = arith.addi %mul3A_0, %arg0 : i32
    %broadcast_in_dim3A = arith.constant 1.000000e+00 : f32
    %broadcast_in_dim3A_1 = vector.broadcast %broadcast_in_dim3A : f32 to vector<16xf32>
    %swap3A = arith.constant 0 : index
    %swap3A_2 = tpu.vector_load %arg5[%swap3A] {strides = array<i32>} : memref<128xf32, #tpu.memory_space<vmem>>, vector<16xf32>,
    %swap3A_3 = vector.shape_cast %swap3A_2 : vector<16xf32> to vector<16xf32>
    %swap3A_4 = vector.shape_cast %broadcast_in_dim3A_1 : vector<16xf32> to vector<16xf32>
    tpu.vector_store %arg5[%swap3A], %swap3A_4 {strides = array<i32>} : memref<128xf32, #tpu.memory_space<vmem>>, vector<16xf32>,
    %broadcast_in_dim3A_5 = arith.constant 1.000000e+00 : f32
    %broadcast_in_dim3A_6 = vector.broadcast %broadcast_in_dim3A_5 : f32 to vector<16xf32>
    %swap3A_7 = arith.constant 16 : index
    %swap3A_8 = tpu.vector_load %arg5[%swap3A_7] {strides = array<i32>} : memref<128xf32, #tpu.memory_space<vmem>>, vector<16xf32>,
    %swap3A_9 = vector.shape_cast %swap3A_8 : vector<16xf32> to vector<16xf32>
    %swap3A_10 = vector.shape_cast %broadcast_in_dim3A_6 : vector<16xf32> to vector<16xf32>
    tpu.vector_store %arg5[%swap3A_7], %swap3A_10 {strides = array<i32>} : memref<128xf32, #tpu.memory_space<vmem>>, vector<16xf32>,
    %broadcast_in_dim3A_11 = arith.constant 1.000000e+00 : f32
    %broadcast_in_dim3A_12 = vector.broadcast %broadcast_in_dim3A_11 : f32 to vector<16xf32>
    %swap3A_13 = arith.constant 32 : index
    %swap3A_14 = tpu.vector_load %arg5[%swap3A_13] {strides = array<i32>} : memref<128xf32, #tpu.memory_space<vmem>>, vector<16xf32>,
    %swap3A_15 = vector.shape_cast %swap3A_14 : vector<16xf32> to vector<16xf32>
    %swap3A_16 = vector.shape_cast %broadcast_in_dim3A_12 : vector<16xf32> to vector<16xf32>
    tpu.vector_store %arg5[%swap3A_13], %swap3A_16 {strides = array<i32>} : memref<128xf32, #tpu.memory_space<vmem>>, vector<16xf32>,
    %broadcast_in_dim3A_17 = arith.constant 1.000000e+00 : f32
    %broadcast_in_dim3A_18 = vector.broadcast %broadcast_in_dim3A_17 : f32 to vector<16xf32>
    %swap3A_19 = arith.constant 48 : index
    %swap3A_20 = tpu.vector_load %arg5[%swap3A_19] {strides = array<i32>} : memref<128xf32, #tpu.memory_space<vmem>>, vector<16xf32>,
    %swap3A_21 = vector.shape_cast %swap3A_20 : vector<16xf32> to vector<16xf32>
    %swap3A_22 = vector.shape_cast %broadcast_in_dim3A_18 : vector<16xf32> to vector<16xf32>
    tpu.vector_store %arg5[%swap3A_19], %swap3A_22 {strides = array<i32>} : memref<128xf32, #tpu.memory_space<vmem>>, vector<16xf32>,
    %broadcast_in_dim3A_23 = arith.constant 1.000000e+00 : f32
    %broadcast_in_dim3A_24 = vector.broadcast %broadcast_in_dim3A_23 : f32 to vector<16xf32>
    %swap3A_25 = arith.constant 64 : index
    %swap3A_26 = tpu.vector_load %arg5[%swap3A_25] {strides = array<i32>} : memref<128xf32, #tpu.memory_space<vmem>>, vector<16xf32>,
    %swap3A_27 = vector.shape_cast %swap3A_26 : vector<16xf32> to vector<16xf32>
    %swap3A_28 = vector.shape_cast %broadcast_in_dim3A_24 : vector<16xf32> to vector<16xf32>
    tpu.vector_store %arg5[%swap3A_25], %swap3A_28 {strides = array<i32>} : memref<128xf32, #tpu.memory_space<vmem>>, vector<16xf32>,
    %broadcast_in_dim3A_29 = arith.constant 1.000000e+00 : f32
    %broadcast_in_dim3A_30 = vector.broadcast %broadcast_in_dim3A_29 : f32 to vector<16xf32>
    %swap3A_31 = arith.constant 80 : index
    %swap3A_32 = tpu.vector_load %arg5[%swap3A_31] {strides = array<i32>} : memref<128xf32, #tpu.memory_space<vmem>>, vector<16xf32>,
    %swap3A_33 = vector.shape_cast %swap3A_32 : vector<16xf32> to vector<16xf32>
    %swap3A_34 = vector.shape_cast %broadcast_in_dim3A_30 : vector<16xf32> to vector<16xf32>
    tpu.vector_store %arg5[%swap3A_31], %swap3A_34 {strides = array<i32>} : memref<128xf32, #tpu.memory_space<vmem>>, vector<16xf32>,
    %broadcast_in_dim3A_35 = arith.constant 1.000000e+00 : f32
    %broadcast_in_dim3A_36 = vector.broadcast %broadcast_in_dim3A_35 : f32 to vector<16xf32>
    %swap3A_37 = arith.constant 96 : index
    %swap3A_38 = tpu.vector_load %arg5[%swap3A_37] {strides = array<i32>} : memref<128xf32, #tpu.memory_space<vmem>>, vector<16xf32>,
    %swap3A_39 = vector.shape_cast %swap3A_38 : vector<16xf32> to vector<16xf32>
    %swap3A_40 = vector.shape_cast %broadcast_in_dim3A_36 : vector<16xf32> to vector<16xf32>
    tpu.vector_store %arg5[%swap3A_37], %swap3A_40 {strides = array<i32>} : memref<128xf32, #tpu.memory_space<vmem>>, vector<16xf32>,
    %broadcast_in_dim3A_41 = arith.constant 1.000000e+00 : f32
    %broadcast_in_dim3A_42 = vector.broadcast %broadcast_in_dim3A_41 : f32 to vector<16xf32>
    %swap3A_43 = arith.constant 112 : index
    %swap3A_44 = tpu.vector_load %arg5[%swap3A_43] {strides = array<i32>} : memref<128xf32, #tpu.memory_space<vmem>>, vector<16xf32>,
    %swap3A_45 = vector.shape_cast %swap3A_44 : vector<16xf32> to vector<16xf32>
    %swap3A_46 = vector.shape_cast %broadcast_in_dim3A_42 : vector<16xf32> to vector<16xf32>
    tpu.vector_store %arg5[%swap3A_43], %swap3A_46 {strides = array<i32>} : memref<128xf32, #tpu.memory_space<vmem>>, vector<16xf32>,
    %broadcast_in_dim3A_47 = arith.constant 0.000000e+00 : f32
    %broadcast_in_dim3A_48 = vector.broadcast %broadcast_in_dim3A_47 : f32 to vector<16xf32>
    %swap3A_49 = arith.constant 0 : index
    %swap3A_50 = tpu.vector_load %arg6[%swap3A_49] {strides = array<i32>} : memref<640xf32, #tpu.memory_space<vmem>>, vector<16xf32>,
    %swap3A_51 = vector.shape_cast %swap3A_50 : vector<16xf32> to vector<16xf32>
    %swap3A_52 = vector.shape_cast %broadcast_in_dim3A_48 : vector<16xf32> to vector<16xf32>
    tpu.vector_store %arg6[%swap3A_49], %swap3A_52 {strides = array<i32>} : memref<640xf32, #tpu.memory_space<vmem>>, vector<16xf32>,
    %broadcast_in_dim3A_53 = arith.constant 0.000000e+00 : f32
    %broadcast_in_dim3A_54 = vector.broadcast %broadcast_in_dim3A_53 : f32 to vector<16xf32>
    %swap3A_55 = arith.constant 16 : index
    %swap3A_56 = tpu.vector_load %arg6[%swap3A_55] {strides = array<i32>} : memref<640xf32, #tpu.memory_space<vmem>>, vector<16xf32>,
    %swap3A_57 = vector.shape_cast %swap3A_56 : vector<16xf32> to vector<16xf32>
    %swap3A_58 = vector.shape_cast %broadcast_in_dim3A_54 : vector<16xf32> to vector<16xf32>
    tpu.vector_store %arg6[%swap3A_55], %swap3A_58 {strides = array<i32>} : memref<640xf32, #tpu.memory_space<vmem>>, vector<16xf32>,
    %broadcast_in_dim3A_59 = arith.constant 0.000000e+00 : f32
    %broadcast_in_dim3A_60 = vector.broadcast %broadcast_in_dim3A_59 : f32 to vector<16xf32>
    %swap3A_61 = arith.constant 32 : index
    %swap3A_62 = tpu.vector_load %arg6[%swap3A_61] {strides = array<i32>} : memref<640xf32, #tpu.memory_space<vmem>>, vector<16xf32>,
    %swap3A_63 = vector.shape_cast %swap3A_62 : vector<16xf32> to vector<16xf32>
    %swap3A_64 = vector.shape_cast %broadcast_in_dim3A_60 : vector<16xf32> to vector<16xf32>
    tpu.vector_store %arg6[%swap3A_61], %swap3A_64 {strides = array<i32>} : memref<640xf32, #tpu.memory_space<vmem>>, vector<16xf32>,
    %broadcast_in_dim3A_65 = arith.constant 0.000000e+00 : f32
    %broadcast_in_dim3A_66 = vector.broadcast %broadcast_in_dim3A_65 : f32 to vector<16xf32>
    %swap3A_67 = arith.constant 48 : index
    %swap3A_68 = tpu.vector_load %arg6[%swap3A_67] {strides = array<i32>} : memref<640xf32, #tpu.memory_space<vmem>>, vector<16xf32>,
    %swap3A_69 = vector.shape_cast %swap3A_68 : vector<16xf32> to vector<16xf32>
    %swap3A_70 = vector.shape_cast %broadcast_in_dim3A_66 : vector<16xf32> to vector<16xf32>
    tpu.vector_store %arg6[%swap3A_67], %swap3A_70 {strides = array<i32>} : memref<640xf32, #tpu.memory_space<vmem>>, vector<16xf32>,
    %broadcast_in_dim3A_71 = arith.constant 0.000000e+00 : f32
    %broadcast_in_dim3A_72 = vector.broadcast %broadcast_in_dim3A_71 : f32 to vector<16xf32>
    %swap3A_73 = arith.constant 64 : index
    %swap3A_74 = tpu.vector_load %arg6[%swap3A_73] {strides = array<i32>} : memref<640xf32, #tpu.memory_space<vmem>>, vector<16xf32>,
    %swap3A_75 = vector.shape_cast %swap3A_74 : vector<16xf32> to vector<16xf32>
    %swap3A_76 = vector.shape_cast %broadcast_in_dim3A_72 : vector<16xf32> to vector<16xf32>
    tpu.vector_store %arg6[%swap3A_73], %swap3A_76 {strides = array<i32>} : memref<640xf32, #tpu.memory_space<vmem>>, vector<16xf32>,
    %broadcast_in_dim3A_77 = arith.constant 0.000000e+00 : f32
    %broadcast_in_dim3A_78 = vector.broadcast %broadcast_in_dim3A_77 : f32 to vector<16xf32>
    %swap3A_79 = arith.constant 80 : index
    %swap3A_80 = tpu.vector_load %arg6[%swap3A_79] {strides = array<i32>} : memref<640xf32, #tpu.memory_space<vmem>>, vector<16xf32>,
    %swap3A_81 = vector.shape_cast %swap3A_80 : vector<16xf32> to vector<16xf32>
    %swap3A_82 = vector.shape_cast %broadcast_in_dim3A_78 : vector<16xf32> to vector<16xf32>
    tpu.vector_store %arg6[%swap3A_79], %swap3A_82 {strides = array<i32>} : memref<640xf32, #tpu.memory_space<vmem>>, vector<16xf32>,
    %broadcast_in_dim3A_83 = arith.constant 0.000000e+00 : f32
    %broadcast_in_dim3A_84 = vector.broadcast %broadcast_in_dim3A_83 : f32 to vector<16xf32>
    %swap3A_85 = arith.constant 96 : index
    %swap3A_86 = tpu.vector_load %arg6[%swap3A_85] {strides = array<i32>} : memref<640xf32, #tpu.memory_space<vmem>>, vector<16xf32>,
    %swap3A_87 = vector.shape_cast %swap3A_86 : vector<16xf32> to vector<16xf32>
    %swap3A_88 = vector.shape_cast %broadcast_in_dim3A_84 : vector<16xf32> to vector<16xf32>
    tpu.vector_store %arg6[%swap3A_85], %swap3A_88 {strides = array<i32>} : memref<640xf32, #tpu.memory_space<vmem>>, vector<16xf32>,
    %broadcast_in_dim3A_89 = arith.constant 0.000000e+00 : f32
    %broadcast_in_dim3A_90 = vector.broadcast %broadcast_in_dim3A_89 : f32 to vector<16xf32>
    %swap3A_91 = arith.constant 112 : index
    %swap3A_92 = tpu.vector_load %arg6[%swap3A_91] {strides = array<i32>} : memref<640xf32, #tpu.memory_space<vmem>>, vector<16xf32>,
    %swap3A_93 = vector.shape_cast %swap3A_92 : vector<16xf32> to vector<16xf32>
    %swap3A_94 = vector.shape_cast %broadcast_in_dim3A_90 : vector<16xf32> to vector<16xf32>
    tpu.vector_store %arg6[%swap3A_91], %swap3A_94 {strides = array<i32>} : memref<640xf32, #tpu.memory_space<vmem>>, vector<16xf32>,
    %broadcast_in_dim3A_95 = arith.constant 0.000000e+00 : f32
    %broadcast_in_dim3A_96 = vector.broadcast %broadcast_in_dim3A_95 : f32 to vector<16xf32>
    %swap3A_97 = arith.constant 128 : index
    %swap3A_98 = tpu.vector_load %arg6[%swap3A_97] {strides = array<i32>} : memref<640xf32, #tpu.memory_space<vmem>>, vector<16xf32>,
    %swap3A_99 = vector.shape_cast %swap3A_98 : vector<16xf32> to vector<16xf32>
    %swap3A_100 = vector.shape_cast %broadcast_in_dim3A_96 : vector<16xf32> to vector<16xf32>
    tpu.vector_store %arg6[%swap3A_97], %swap3A_100 {strides = array<i32>} : memref<640xf32, #tpu.memory_space<vmem>>, vector<16xf32>,
    %broadcast_in_dim3A_101 = arith.constant 0.000000e+00 : f32
    %broadcast_in_dim3A_102 = vector.broadcast %broadcast_in_dim3A_101 : f32 to vector<16xf32>
    %swap3A_103 = arith.constant 144 : index
    %swap3A_104 = tpu.vector_load %arg6[%swap3A_103] {strides = array<i32>} : memref<640xf32, #tpu.memory_space<vmem>>, vector<16xf32>,
    %swap3A_105 = vector.shape_cast %swap3A_104 : vector<16xf32> to vector<16xf32>
    %swap3A_106 = vector.shape_cast %broadcast_in_dim3A_102 : vector<16xf32> to vector<16xf32>
    tpu.vector_store %arg6[%swap3A_103], %swap3A_106 {strides = array<i32>} : memref<640xf32, #tpu.memory_space<vmem>>, vector<16xf32>,
    %broadcast_in_dim3A_107 = arith.constant 0.000000e+00 : f32
    %broadcast_in_dim3A_108 = vector.broadcast %broadcast_in_dim3A_107 : f32 to vector<16xf32>
    %swap3A_109 = arith.constant 160 : index
    %swap3A_110 = tpu.vector_load %arg6[%swap3A_109] {strides = array<i32>} : memref<640xf32, #tpu.memory_space<vmem>>, vector<16xf32>,
    %swap3A_111 = vector.shape_cast %swap3A_110 : vector<16xf32> to vector<16xf32>
    %swap3A_112 = vector.shape_cast %broadcast_in_dim3A_108 : vector<16xf32> to vector<16xf32>
    tpu.vector_store %arg6[%swap3A_109], %swap3A_112 {strides = array<i32>} : memref<640xf32, #tpu.memory_space<vmem>>, vector<16xf32>,
    %broadcast_in_dim3A_113 = arith.constant 0.000000e+00 : f32
    %broadcast_in_dim3A_114 = vector.broadcast %broadcast_in_dim3A_113 : f32 to vector<16xf32>
    %swap3A_115 = arith.constant 176 : index
    %swap3A_116 = tpu.vector_load %arg6[%swap3A_115] {strides = array<i32>} : memref<640xf32, #tpu.memory_space<vmem>>, vector<16xf32>,
    %swap3A_117 = vector.shape_cast %swap3A_116 : vector<16xf32> to vector<16xf32>
    %swap3A_118 = vector.shape_cast %broadcast_in_dim3A_114 : vector<16xf32> to vector<16xf32>
    tpu.vector_store %arg6[%swap3A_115], %swap3A_118 {strides = array<i32>} : memref<640xf32, #tpu.memory_space<vmem>>, vector<16xf32>,
    %broadcast_in_dim3A_119 = arith.constant 0.000000e+00 : f32
    %broadcast_in_dim3A_120 = vector.broadcast %broadcast_in_dim3A_119 : f32 to vector<16xf32>
    %swap3A_121 = arith.constant 192 : index
    %swap3A_122 = tpu.vector_load %arg6[%swap3A_121] {strides = array<i32>} : memref<640xf32, #tpu.memory_space<vmem>>, vector<16xf32>,
    %swap3A_123 = vector.shape_cast %swap3A_122 : vector<16xf32> to vector<16xf32>
    %swap3A_124 = vector.shape_cast %broadcast_in_dim3A_120 : vector<16xf32> to vector<16xf32>
    tpu.vector_store %arg6[%swap3A_121], %swap3A_124 {strides = array<i32>} : memref<640xf32, #tpu.memory_space<vmem>>, vector<16xf32>,
    %broadcast_in_dim3A_125 = arith.constant 0.000000e+00 : f32
    %broadcast_in_dim3A_126 = vector.broadcast %broadcast_in_dim3A_125 : f32 to vector<16xf32>
    %swap3A_127 = arith.constant 208 : index
    %swap3A_128 = tpu.vector_load %arg6[%swap3A_127] {strides = array<i32>} : memref<640xf32, #tpu.memory_space<vmem>>, vector<16xf32>,
    %swap3A_129 = vector.shape_cast %swap3A_128 : vector<16xf32> to vector<16xf32>
    %swap3A_130 = vector.shape_cast %broadcast_in_dim3A_126 : vector<16xf32> to vector<16xf32>
    tpu.vector_store %arg6[%swap3A_127], %swap3A_130 {strides = array<i32>} : memref<640xf32, #tpu.memory_space<vmem>>, vector<16xf32>,
    %broadcast_in_dim3A_131 = arith.constant 0.000000e+00 : f32
    %broadcast_in_dim3A_132 = vector.broadcast %broadcast_in_dim3A_131 : f32 to vector<16xf32>
    %swap3A_133 = arith.constant 224 : index
    %swap3A_134 = tpu.vector_load %arg6[%swap3A_133] {strides = array<i32>} : memref<640xf32, #tpu.memory_space<vmem>>, vector<16xf32>,
    %swap3A_135 = vector.shape_cast %swap3A_134 : vector<16xf32> to vector<16xf32>
    %swap3A_136 = vector.shape_cast %broadcast_in_dim3A_132 : vector<16xf32> to vector<16xf32>
    tpu.vector_store %arg6[%swap3A_133], %swap3A_136 {strides = array<i32>} : memref<640xf32, #tpu.memory_space<vmem>>, vector<16xf32>,
    %broadcast_in_dim3A_137 = arith.constant 0.000000e+00 : f32
    %broadcast_in_dim3A_138 = vector.broadcast %broadcast_in_dim3A_137 : f32 to vector<16xf32>
    %swap3A_139 = arith.constant 240 : index
    %swap3A_140 = tpu.vector_load %arg6[%swap3A_139] {strides = array<i32>} : memref<640xf32, #tpu.memory_space<vmem>>, vector<16xf32>,
    %swap3A_141 = vector.shape_cast %swap3A_140 : vector<16xf32> to vector<16xf32>
    %swap3A_142 = vector.shape_cast %broadcast_in_dim3A_138 : vector<16xf32> to vector<16xf32>
    tpu.vector_store %arg6[%swap3A_139], %swap3A_142 {strides = array<i32>} : memref<640xf32, #tpu.memory_space<vmem>>, vector<16xf32>,
    %broadcast_in_dim3A_143 = arith.constant 0.000000e+00 : f32
    %broadcast_in_dim3A_144 = vector.broadcast %broadcast_in_dim3A_143 : f32 to vector<16xf32>
    %swap3A_145 = arith.constant 256 : index
    %swap3A_146 = tpu.vector_load %arg6[%swap3A_145] {strides = array<i32>} : memref<640xf32, #tpu.memory_space<vmem>>, vector<16xf32>,
    %swap3A_147 = vector.shape_cast %swap3A_146 : vector<16xf32> to vector<16xf32>
    %swap3A_148 = vector.shape_cast %broadcast_in_dim3A_144 : vector<16xf32> to vector<16xf32>
    tpu.vector_store %arg6[%swap3A_145], %swap3A_148 {strides = array<i32>} : memref<640xf32, #tpu.memory_space<vmem>>, vector<16xf32>,
    %broadcast_in_dim3A_149 = arith.constant 0.000000e+00 : f32
    %broadcast_in_dim3A_150 = vector.broadcast %broadcast_in_dim3A_149 : f32 to vector<16xf32>
    %swap3A_151 = arith.constant 272 : index
    %swap3A_152 = tpu.vector_load %arg6[%swap3A_151] {strides = array<i32>} : memref<640xf32, #tpu.memory_space<vmem>>, vector<16xf32>,
    %swap3A_153 = vector.shape_cast %swap3A_152 : vector<16xf32> to vector<16xf32>
    %swap3A_154 = vector.shape_cast %broadcast_in_dim3A_150 : vector<16xf32> to vector<16xf32>
    tpu.vector_store %arg6[%swap3A_151], %swap3A_154 {strides = array<i32>} : memref<640xf32, #tpu.memory_space<vmem>>, vector<16xf32>,
    %broadcast_in_dim3A_155 = arith.constant 0.000000e+00 : f32
    %broadcast_in_dim3A_156 = vector.broadcast %broadcast_in_dim3A_155 : f32 to vector<16xf32>
    %swap3A_157 = arith.constant 288 : index
    %swap3A_158 = tpu.vector_load %arg6[%swap3A_157] {strides = array<i32>} : memref<640xf32, #tpu.memory_space<vmem>>, vector<16xf32>,
    %swap3A_159 = vector.shape_cast %swap3A_158 : vector<16xf32> to vector<16xf32>
    %swap3A_160 = vector.shape_cast %broadcast_in_dim3A_156 : vector<16xf32> to vector<16xf32>
    tpu.vector_store %arg6[%swap3A_157], %swap3A_160 {strides = array<i32>} : memref<640xf32, #tpu.memory_space<vmem>>, vector<16xf32>,
    %broadcast_in_dim3A_161 = arith.constant 0.000000e+00 : f32
    %broadcast_in_dim3A_162 = vector.broadcast %broadcast_in_dim3A_161 : f32 to vector<16xf32>
    %swap3A_163 = arith.constant 304 : index
    %swap3A_164 = tpu.vector_load %arg6[%swap3A_163] {strides = array<i32>} : memref<640xf32, #tpu.memory_space<vmem>>, vector<16xf32>,
    %swap3A_165 = vector.shape_cast %swap3A_164 : vector<16xf32> to vector<16xf32>
    %swap3A_166 = vector.shape_cast %broadcast_in_dim3A_162 : vector<16xf32> to vector<16xf32>
    tpu.vector_store %arg6[%swap3A_163], %swap3A_166 {strides = array<i32>} : memref<640xf32, #tpu.memory_space<vmem>>, vector<16xf32>,
    %broadcast_in_dim3A_167 = arith.constant 0.000000e+00 : f32
    %broadcast_in_dim3A_168 = vector.broadcast %broadcast_in_dim3A_167 : f32 to vector<16xf32>
    %swap3A_169 = arith.constant 320 : index
    %swap3A_170 = tpu.vector_load %arg6[%swap3A_169] {strides = array<i32>} : memref<640xf32, #tpu.memory_space<vmem>>, vector<16xf32>,
    %swap3A_171 = vector.shape_cast %swap3A_170 : vector<16xf32> to vector<16xf32>
    %swap3A_172 = vector.shape_cast %broadcast_in_dim3A_168 : vector<16xf32> to vector<16xf32>
    tpu.vector_store %arg6[%swap3A_169], %swap3A_172 {strides = array<i32>} : memref<640xf32, #tpu.memory_space<vmem>>, vector<16xf32>,
    %broadcast_in_dim3A_173 = arith.constant 0.000000e+00 : f32
    %broadcast_in_dim3A_174 = vector.broadcast %broadcast_in_dim3A_173 : f32 to vector<16xf32>
    %swap3A_175 = arith.constant 336 : index
    %swap3A_176 = tpu.vector_load %arg6[%swap3A_175] {strides = array<i32>} : memref<640xf32, #tpu.memory_space<vmem>>, vector<16xf32>,
    %swap3A_177 = vector.shape_cast %swap3A_176 : vector<16xf32> to vector<16xf32>
    %swap3A_178 = vector.shape_cast %broadcast_in_dim3A_174 : vector<16xf32> to vector<16xf32>
    tpu.vector_store %arg6[%swap3A_175], %swap3A_178 {strides = array<i32>} : memref<640xf32, #tpu.memory_space<vmem>>, vector<16xf32>,
    %broadcast_in_dim3A_179 = arith.constant 0.000000e+00 : f32
    %broadcast_in_dim3A_180 = vector.broadcast %broadcast_in_dim3A_179 : f32 to vector<16xf32>
    %swap3A_181 = arith.constant 352 : index
    %swap3A_182 = tpu.vector_load %arg6[%swap3A_181] {strides = array<i32>} : memref<640xf32, #tpu.memory_space<vmem>>, vector<16xf32>,
    %swap3A_183 = vector.shape_cast %swap3A_182 : vector<16xf32> to vector<16xf32>
    %swap3A_184 = vector.shape_cast %broadcast_in_dim3A_180 : vector<16xf32> to vector<16xf32>
    tpu.vector_store %arg6[%swap3A_181], %swap3A_184 {strides = array<i32>} : memref<640xf32, #tpu.memory_space<vmem>>, vector<16xf32>,
    %broadcast_in_dim3A_185 = arith.constant 0.000000e+00 : f32
    %broadcast_in_dim3A_186 = vector.broadcast %broadcast_in_dim3A_185 : f32 to vector<16xf32>
    %swap3A_187 = arith.constant 368 : index
    %swap3A_188 = tpu.vector_load %arg6[%swap3A_187] {strides = array<i32>} : memref<640xf32, #tpu.memory_space<vmem>>, vector<16xf32>,
    %swap3A_189 = vector.shape_cast %swap3A_188 : vector<16xf32> to vector<16xf32>
    %swap3A_190 = vector.shape_cast %broadcast_in_dim3A_186 : vector<16xf32> to vector<16xf32>
    tpu.vector_store %arg6[%swap3A_187], %swap3A_190 {strides = array<i32>} : memref<640xf32, #tpu.memory_space<vmem>>, vector<16xf32>,
    %broadcast_in_dim3A_191 = arith.constant 0.000000e+00 : f32
    %broadcast_in_dim3A_192 = vector.broadcast %broadcast_in_dim3A_191 : f32 to vector<16xf32>
    %swap3A_193 = arith.constant 384 : index
    %swap3A_194 = tpu.vector_load %arg6[%swap3A_193] {strides = array<i32>} : memref<640xf32, #tpu.memory_space<vmem>>, vector<16xf32>,
    %swap3A_195 = vector.shape_cast %swap3A_194 : vector<16xf32> to vector<16xf32>
    %swap3A_196 = vector.shape_cast %broadcast_in_dim3A_192 : vector<16xf32> to vector<16xf32>
    tpu.vector_store %arg6[%swap3A_193], %swap3A_196 {strides = array<i32>} : memref<640xf32, #tpu.memory_space<vmem>>, vector<16xf32>,
    %broadcast_in_dim3A_197 = arith.constant 0.000000e+00 : f32
    %broadcast_in_dim3A_198 = vector.broadcast %broadcast_in_dim3A_197 : f32 to vector<16xf32>
    %swap3A_199 = arith.constant 400 : index
    %swap3A_200 = tpu.vector_load %arg6[%swap3A_199] {strides = array<i32>} : memref<640xf32, #tpu.memory_space<vmem>>, vector<16xf32>,
    %swap3A_201 = vector.shape_cast %swap3A_200 : vector<16xf32> to vector<16xf32>
    %swap3A_202 = vector.shape_cast %broadcast_in_dim3A_198 : vector<16xf32> to vector<16xf32>
    tpu.vector_store %arg6[%swap3A_199], %swap3A_202 {strides = array<i32>} : memref<640xf32, #tpu.memory_space<vmem>>, vector<16xf32>,
    %broadcast_in_dim3A_203 = arith.constant 0.000000e+00 : f32
    %broadcast_in_dim3A_204 = vector.broadcast %broadcast_in_dim3A_203 : f32 to vector<16xf32>
    %swap3A_205 = arith.constant 416 : index
    %swap3A_206 = tpu.vector_load %arg6[%swap3A_205] {strides = array<i32>} : memref<640xf32, #tpu.memory_space<vmem>>, vector<16xf32>,
    %swap3A_207 = vector.shape_cast %swap3A_206 : vector<16xf32> to vector<16xf32>
    %swap3A_208 = vector.shape_cast %broadcast_in_dim3A_204 : vector<16xf32> to vector<16xf32>
    tpu.vector_store %arg6[%swap3A_205], %swap3A_208 {strides = array<i32>} : memref<640xf32, #tpu.memory_space<vmem>>, vector<16xf32>,
    %broadcast_in_dim3A_209 = arith.constant 0.000000e+00 : f32
    %broadcast_in_dim3A_210 = vector.broadcast %broadcast_in_dim3A_209 : f32 to vector<16xf32>
    %swap3A_211 = arith.constant 432 : index
    %swap3A_212 = tpu.vector_load %arg6[%swap3A_211] {strides = array<i32>} : memref<640xf32, #tpu.memory_space<vmem>>, vector<16xf32>,
    %swap3A_213 = vector.shape_cast %swap3A_212 : vector<16xf32> to vector<16xf32>
    %swap3A_214 = vector.shape_cast %broadcast_in_dim3A_210 : vector<16xf32> to vector<16xf32>
    tpu.vector_store %arg6[%swap3A_211], %swap3A_214 {strides = array<i32>} : memref<640xf32, #tpu.memory_space<vmem>>, vector<16xf32>,
    %broadcast_in_dim3A_215 = arith.constant 0.000000e+00 : f32
    %broadcast_in_dim3A_216 = vector.broadcast %broadcast_in_dim3A_215 : f32 to vector<16xf32>
    %swap3A_217 = arith.constant 448 : index
    %swap3A_218 = tpu.vector_load %arg6[%swap3A_217] {strides = array<i32>} : memref<640xf32, #tpu.memory_space<vmem>>, vector<16xf32>,
    %swap3A_219 = vector.shape_cast %swap3A_218 : vector<16xf32> to vector<16xf32>
    %swap3A_220 = vector.shape_cast %broadcast_in_dim3A_216 : vector<16xf32> to vector<16xf32>
    tpu.vector_store %arg6[%swap3A_217], %swap3A_220 {strides = array<i32>} : memref<640xf32, #tpu.memory_space<vmem>>, vector<16xf32>,
    %broadcast_in_dim3A_221 = arith.constant 0.000000e+00 : f32
    %broadcast_in_dim3A_222 = vector.broadcast %broadcast_in_dim3A_221 : f32 to vector<16xf32>
    %swap3A_223 = arith.constant 464 : index
    %swap3A_224 = tpu.vector_load %arg6[%swap3A_223] {strides = array<i32>} : memref<640xf32, #tpu.memory_space<vmem>>, vector<16xf32>,
    %swap3A_225 = vector.shape_cast %swap3A_224 : vector<16xf32> to vector<16xf32>
    %swap3A_226 = vector.shape_cast %broadcast_in_dim3A_222 : vector<16xf32> to vector<16xf32>
    tpu.vector_store %arg6[%swap3A_223], %swap3A_226 {strides = array<i32>} : memref<640xf32, #tpu.memory_space<vmem>>, vector<16xf32>,
    %broadcast_in_dim3A_227 = arith.constant 0.000000e+00 : f32
    %broadcast_in_dim3A_228 = vector.broadcast %broadcast_in_dim3A_227 : f32 to vector<16xf32>
    %swap3A_229 = arith.constant 480 : index
    %swap3A_230 = tpu.vector_load %arg6[%swap3A_229] {strides = array<i32>} : memref<640xf32, #tpu.memory_space<vmem>>, vector<16xf32>,
    %swap3A_231 = vector.shape_cast %swap3A_230 : vector<16xf32> to vector<16xf32>
    %swap3A_232 = vector.shape_cast %broadcast_in_dim3A_228 : vector<16xf32> to vector<16xf32>
    tpu.vector_store %arg6[%swap3A_229], %swap3A_232 {strides = array<i32>} : memref<640xf32, #tpu.memory_space<vmem>>, vector<16xf32>,
    %broadcast_in_dim3A_233 = arith.constant 0.000000e+00 : f32
    %broadcast_in_dim3A_234 = vector.broadcast %broadcast_in_dim3A_233 : f32 to vector<16xf32>
    %swap3A_235 = arith.constant 496 : index
    %swap3A_236 = tpu.vector_load %arg6[%swap3A_235] {strides = array<i32>} : memref<640xf32, #tpu.memory_space<vmem>>, vector<16xf32>,
    %swap3A_237 = vector.shape_cast %swap3A_236 : vector<16xf32> to vector<16xf32>
    %swap3A_238 = vector.shape_cast %broadcast_in_dim3A_234 : vector<16xf32> to vector<16xf32>
    tpu.vector_store %arg6[%swap3A_235], %swap3A_238 {strides = array<i32>} : memref<640xf32, #tpu.memory_space<vmem>>, vector<16xf32>,
    %broadcast_in_dim3A_239 = arith.constant 0.000000e+00 : f32
    %broadcast_in_dim3A_240 = vector.broadcast %broadcast_in_dim3A_239 : f32 to vector<16xf32>
    %swap3A_241 = arith.constant 512 : index
    %swap3A_242 = tpu.vector_load %arg6[%swap3A_241] {strides = array<i32>} : memref<640xf32, #tpu.memory_space<vmem>>, vector<16xf32>,
    %swap3A_243 = vector.shape_cast %swap3A_242 : vector<16xf32> to vector<16xf32>
    %swap3A_244 = vector.shape_cast %broadcast_in_dim3A_240 : vector<16xf32> to vector<16xf32>
    tpu.vector_store %arg6[%swap3A_241], %swap3A_244 {strides = array<i32>} : memref<640xf32, #tpu.memory_space<vmem>>, vector<16xf32>,
    %broadcast_in_dim3A_245 = arith.constant 0.000000e+00 : f32
    %broadcast_in_dim3A_246 = vector.broadcast %broadcast_in_dim3A_245 : f32 to vector<16xf32>
    %swap3A_247 = arith.constant 528 : index
    %swap3A_248 = tpu.vector_load %arg6[%swap3A_247] {strides = array<i32>} : memref<640xf32, #tpu.memory_space<vmem>>, vector<16xf32>,
    %swap3A_249 = vector.shape_cast %swap3A_248 : vector<16xf32> to vector<16xf32>
    %swap3A_250 = vector.shape_cast %broadcast_in_dim3A_246 : vector<16xf32> to vector<16xf32>
    tpu.vector_store %arg6[%swap3A_247], %swap3A_250 {strides = array<i32>} : memref<640xf32, #tpu.memory_space<vmem>>, vector<16xf32>,
    %broadcast_in_dim3A_251 = arith.constant 0.000000e+00 : f32
    %broadcast_in_dim3A_252 = vector.broadcast %broadcast_in_dim3A_251 : f32 to vector<16xf32>
    %swap3A_253 = arith.constant 544 : index
    %swap3A_254 = tpu.vector_load %arg6[%swap3A_253] {strides = array<i32>} : memref<640xf32, #tpu.memory_space<vmem>>, vector<16xf32>,
    %swap3A_255 = vector.shape_cast %swap3A_254 : vector<16xf32> to vector<16xf32>
    %swap3A_256 = vector.shape_cast %broadcast_in_dim3A_252 : vector<16xf32> to vector<16xf32>
    tpu.vector_store %arg6[%swap3A_253], %swap3A_256 {strides = array<i32>} : memref<640xf32, #tpu.memory_space<vmem>>, vector<16xf32>,
    %broadcast_in_dim3A_257 = arith.constant 0.000000e+00 : f32
    %broadcast_in_dim3A_258 = vector.broadcast %broadcast_in_dim3A_257 : f32 to vector<16xf32>
    %swap3A_259 = arith.constant 560 : index
    %swap3A_260 = tpu.vector_load %arg6[%swap3A_259] {strides = array<i32>} : memref<640xf32, #tpu.memory_space<vmem>>, vector<16xf32>,
    %swap3A_261 = vector.shape_cast %swap3A_260 : vector<16xf32> to vector<16xf32>
    %swap3A_262 = vector.shape_cast %broadcast_in_dim3A_258 : vector<16xf32> to vector<16xf32>
    tpu.vector_store %arg6[%swap3A_259], %swap3A_262 {strides = array<i32>} : memref<640xf32, #tpu.memory_space<vmem>>, vector<16xf32>,
    %broadcast_in_dim3A_263 = arith.constant 0.000000e+00 : f32
    %broadcast_in_dim3A_264 = vector.broadcast %broadcast_in_dim3A_263 : f32 to vector<16xf32>
    %swap3A_265 = arith.constant 576 : index
    %swap3A_266 = tpu.vector_load %arg6[%swap3A_265] {strides = array<i32>} : memref<640xf32, #tpu.memory_space<vmem>>, vector<16xf32>,
    %swap3A_267 = vector.shape_cast %swap3A_266 : vector<16xf32> to vector<16xf32>
    %swap3A_268 = vector.shape_cast %broadcast_in_dim3A_264 : vector<16xf32> to vector<16xf32>
    tpu.vector_store %arg6[%swap3A_265], %swap3A_268 {strides = array<i32>} : memref<640xf32, #tpu.memory_space<vmem>>, vector<16xf32>,
    %broadcast_in_dim3A_269 = arith.constant 0.000000e+00 : f32
    %broadcast_in_dim3A_270 = vector.broadcast %broadcast_in_dim3A_269 : f32 to vector<16xf32>
    %swap3A_271 = arith.constant 592 : index
    %swap3A_272 = tpu.vector_load %arg6[%swap3A_271] {strides = array<i32>} : memref<640xf32, #tpu.memory_space<vmem>>, vector<16xf32>,
    %swap3A_273 = vector.shape_cast %swap3A_272 : vector<16xf32> to vector<16xf32>
    %swap3A_274 = vector.shape_cast %broadcast_in_dim3A_270 : vector<16xf32> to vector<16xf32>
    tpu.vector_store %arg6[%swap3A_271], %swap3A_274 {strides = array<i32>} : memref<640xf32, #tpu.memory_space<vmem>>, vector<16xf32>,
    %broadcast_in_dim3A_275 = arith.constant 0.000000e+00 : f32
    %broadcast_in_dim3A_276 = vector.broadcast %broadcast_in_dim3A_275 : f32 to vector<16xf32>
    %swap3A_277 = arith.constant 608 : index
    %swap3A_278 = tpu.vector_load %arg6[%swap3A_277] {strides = array<i32>} : memref<640xf32, #tpu.memory_space<vmem>>, vector<16xf32>,
    %swap3A_279 = vector.shape_cast %swap3A_278 : vector<16xf32> to vector<16xf32>
    %swap3A_280 = vector.shape_cast %broadcast_in_dim3A_276 : vector<16xf32> to vector<16xf32>
    tpu.vector_store %arg6[%swap3A_277], %swap3A_280 {strides = array<i32>} : memref<640xf32, #tpu.memory_space<vmem>>, vector<16xf32>,
    %broadcast_in_dim3A_281 = arith.constant 0.000000e+00 : f32
    %broadcast_in_dim3A_282 = vector.broadcast %broadcast_in_dim3A_281 : f32 to vector<16xf32>
    %swap3A_283 = arith.constant 624 : index
    %swap3A_284 = tpu.vector_load %arg6[%swap3A_283] {strides = array<i32>} : memref<640xf32, #tpu.memory_space<vmem>>, vector<16xf32>,
    %swap3A_285 = vector.shape_cast %swap3A_284 : vector<16xf32> to vector<16xf32>
    %swap3A_286 = vector.shape_cast %broadcast_in_dim3A_282 : vector<16xf32> to vector<16xf32>
    tpu.vector_store %arg6[%swap3A_283], %swap3A_286 {strides = array<i32>} : memref<640xf32, #tpu.memory_space<vmem>>, vector<16xf32>,
    %mul3A_287 = arith.constant 632 : i32
    %mul3A_288 = arith.muli %arg1, %mul3A_287 : i32
    "tpu.region"() ({
      %run_scoped3A = tpu.sem_alloc : memref<!tpu.dma_semaphore, #tpu.memory_space<semaphore_mem>>
      %dma_start3A = arith.constant 0 : i32
      %dma_start3A_302 = tpu.memref_slice %arg6[%dma_start3A] : memref<640xf32, #tpu.memory_space<vmem>> -> memref<632xf32, #tpu.memory_space<vmem>>
      %dma_start3A_303 = tpu.memref_slice %arg7[%mul3A_288] : memref<10112xf32, #tpu.memory_space<vmem_shared>> -> memref<632xf32, #tpu.memory_space<vmem_shared>>
      %dma_start3A_304 = tpu.memref_slice %arg7[%mul3A_288] : memref<10112xf32, #tpu.memory_space<vmem_shared>> -> memref<632xf32, #tpu.memory_space<vmem_shared>>
      %dma_start3A_305 = arith.constant 0 : i32
      %dma_start3A_306 = tpu.memref_slice %arg6[%dma_start3A_305] : memref<640xf32, #tpu.memory_space<vmem>> -> memref<632xf32, #tpu.memory_space<vmem>>
      tpu.enqueue_dma source(%dma_start3A_306 : memref<632xf32, #tpu.memory_space<vmem>>) target(%dma_start3A_304 : memref<632xf32, #tpu.memory_space<vmem_shared>>) target_semaphore(%run_scoped3A : memref<!tpu.dma_semaphore, #tpu.memory_space<semaphore_mem>>)
      %dma_wait3A = arith.constant 0 : i32
      %dma_wait3A_307 = tpu.memref_slice %arg6[%dma_wait3A] : memref<640xf32, #tpu.memory_space<vmem>> -> memref<632xf32, #tpu.memory_space<vmem>>
      %dma_wait3A_308 = tpu.memref_slice %arg7[%mul3A_288] : memref<10112xf32, #tpu.memory_space<vmem_shared>> -> memref<632xf32, #tpu.memory_space<vmem_shared>>
      %dma_wait3A_309 = tpu.memref_slice %arg7[%mul3A_288] : memref<10112xf32, #tpu.memory_space<vmem_shared>> -> memref<632xf32, #tpu.memory_space<vmem_shared>>
      %dma_wait3A_310 = arith.constant 0 : i32
      %dma_wait3A_311 = tpu.memref_slice %arg6[%dma_wait3A_310] : memref<640xf32, #tpu.memory_space<vmem>> -> memref<632xf32, #tpu.memory_space<vmem>>
      tpu.wait_dma2 semaphore(%run_scoped3A : memref<!tpu.dma_semaphore, #tpu.memory_space<semaphore_mem>>) src(%dma_wait3A_311 : memref<632xf32, #tpu.memory_space<vmem>>) dst(%dma_wait3A_309 : memref<632xf32, #tpu.memory_space<vmem_shared>>)
      tpu.yield
    }) : () -> ()
    %barrier3A = arith.constant 0 : index
    tpu.barrier barrier_id(%barrier3A)
    "tpu.region"() ({
      %run_scoped3A = tpu.sem_alloc : memref<!tpu.dma_semaphore, #tpu.memory_space<semaphore_mem>>
      %dma_start3A = arith.constant 0 : i32
      %dma_start3A_302 = arith.constant 0 : i32
      %dma_start3A_303 = tpu.memref_slice %arg2[%add3A, %dma_start3A, %dma_start3A_302] : memref<32x79x128xi32, #tpu.memory_space<hbm>> -> memref<1x79x128xi32, #tpu.memory_space<hbm>>
      %dma_start3A_304 = tpu.memref_squeeze %dma_start3A_303 : memref<1x79x128xi32, #tpu.memory_space<hbm>> -> memref<79x128xi32, #tpu.memory_space<hbm>>
      %dma_start3A_305 = arith.constant 0 : i32
      %dma_start3A_306 = arith.constant 0 : i32
      %dma_start3A_307 = tpu.memref_slice %arg2[%add3A, %dma_start3A_305, %dma_start3A_306] : memref<32x79x128xi32, #tpu.memory_space<hbm>> -> memref<1x79x128xi32, #tpu.memory_space<hbm>>
      %dma_start3A_308 = tpu.memref_squeeze %dma_start3A_307 : memref<1x79x128xi32, #tpu.memory_space<hbm>> -> memref<79x128xi32, #tpu.memory_space<hbm>>
      tpu.enqueue_dma source(%dma_start3A_308 : memref<79x128xi32, #tpu.memory_space<hbm>>) target(%arg4 : memref<79x128xi32, #tpu.memory_space<vmem>>) target_semaphore(%run_scoped3A : memref<!tpu.dma_semaphore, #tpu.memory_space<semaphore_mem>>)
      %dma_wait3A = arith.constant 0 : i32
      %dma_wait3A_309 = arith.constant 0 : i32
      %dma_wait3A_310 = tpu.memref_slice %arg2[%add3A, %dma_wait3A, %dma_wait3A_309] : memref<32x79x128xi32, #tpu.memory_space<hbm>> -> memref<1x79x128xi32, #tpu.memory_space<hbm>>
      %dma_wait3A_311 = tpu.memref_squeeze %dma_wait3A_310 : memref<1x79x128xi32, #tpu.memory_space<hbm>> -> memref<79x128xi32, #tpu.memory_space<hbm>>
      %dma_wait3A_312 = arith.constant 0 : i32
      %dma_wait3A_313 = arith.constant 0 : i32
      %dma_wait3A_314 = tpu.memref_slice %arg2[%add3A, %dma_wait3A_312, %dma_wait3A_313] : memref<32x79x128xi32, #tpu.memory_space<hbm>> -> memref<1x79x128xi32, #tpu.memory_space<hbm>>
      %dma_wait3A_315 = tpu.memref_squeeze %dma_wait3A_314 : memref<1x79x128xi32, #tpu.memory_space<hbm>> -> memref<79x128xi32, #tpu.memory_space<hbm>>
      tpu.wait_dma2 semaphore(%run_scoped3A : memref<!tpu.dma_semaphore, #tpu.memory_space<semaphore_mem>>) src(%dma_wait3A_315 : memref<79x128xi32, #tpu.memory_space<hbm>>) dst(%arg4 : memref<79x128xi32, #tpu.memory_space<vmem>>)
      tpu.yield
    }) : () -> ()
    %scan3A = arith.constant 0 : i32
    %scan3A_289 = arith.constant 0 : i32
    %scan3A_290 = arith.constant 79 : i32
    %scan3A_291 = arith.addi %scan3A_289, %scan3A_290 : i32
    %scan3A_292 = arith.constant 1 : i32
    scf.for %scan3A_302 = %scan3A_289 to %scan3A_291 step %scan3A_292  : i32 {
      "tpu.region"() ({
        %run_scoped3A = tpu.sem_alloc : memref<!tpu.dma_semaphore, #tpu.memory_space<semaphore_mem>>
        %dma_start3A = arith.constant 0 : i32
        %dma_start3A_303 = tpu.memref_slice %arg4[%scan3A_302, %dma_start3A] : memref<79x128xi32, #tpu.memory_space<vmem>> -> memref<1x128xi32, #tpu.memory_space<vmem>>
        %dma_start3A_304 = tpu.memref_squeeze %dma_start3A_303 : memref<1x128xi32, #tpu.memory_space<vmem>> -> memref<128xi32, #tpu.memory_space<vmem>>
        %dma_start3A_305 = arith.constant 0 : i32
        %dma_start3A_306 = tpu.memref_slice %arg7[%dma_start3A_305] : memref<10112xf32, #tpu.memory_space<vmem_shared>> -> memref<10112xf32, #tpu.memory_space<vmem_shared>>
        tpu.enqueue_indirect_dma source(%arg5 : memref<128xf32, #tpu.memory_space<vmem>>) target(%dma_start3A_306 : memref<10112xf32, #tpu.memory_space<vmem_shared>>) offsets(%dma_start3A_304 : memref<128xi32, #tpu.memory_space<vmem>>) semaphore(%run_scoped3A : memref<!tpu.dma_semaphore, #tpu.memory_space<semaphore_mem>>) {add = true}
        %dma_wait3A = arith.constant 0 : i32
        %dma_wait3A_307 = tpu.memref_slice %arg4[%scan3A_302, %dma_wait3A] : memref<79x128xi32, #tpu.memory_space<vmem>> -> memref<1x128xi32, #tpu.memory_space<vmem>>
        %dma_wait3A_308 = tpu.memref_squeeze %dma_wait3A_307 : memref<1x128xi32, #tpu.memory_space<vmem>> -> memref<128xi32, #tpu.memory_space<vmem>>
        %dma_wait3A_309 = arith.constant 0 : i32
        %dma_wait3A_310 = tpu.memref_slice %arg7[%dma_wait3A_309] : memref<10112xf32, #tpu.memory_space<vmem_shared>> -> memref<10112xf32, #tpu.memory_space<vmem_shared>>
        tpu.wait_indirect_dma semaphore(%run_scoped3A : memref<!tpu.dma_semaphore, #tpu.memory_space<semaphore_mem>>) src(%arg5 : memref<128xf32, #tpu.memory_space<vmem>>) dst(%dma_wait3A_310 : memref<10112xf32, #tpu.memory_space<vmem_shared>>)
        tpu.yield
      }) : () -> ()
    }
    %scan3A_293 = arith.constant 79 : i32
    %barrier3A_294 = arith.constant 0 : index
    tpu.barrier barrier_id(%barrier3A_294)
    %mul3A_295 = arith.constant 632 : i32
    %mul3A_296 = arith.muli %arg1, %mul3A_295 : i32
    "tpu.region"() ({
      %run_scoped3A = tpu.sem_alloc : memref<!tpu.dma_semaphore, #tpu.memory_space<semaphore_mem>>
      %dma_start3A = arith.constant 0 : i32
      %dma_start3A_302 = tpu.memref_slice %arg6[%dma_start3A] : memref<640xf32, #tpu.memory_space<vmem>> -> memref<632xf32, #tpu.memory_space<vmem>>
      %dma_start3A_303 = tpu.memref_slice %arg7[%mul3A_296] : memref<10112xf32, #tpu.memory_space<vmem_shared>> -> memref<632xf32, #tpu.memory_space<vmem_shared>>
      %dma_start3A_304 = arith.constant 0 : i32
      %dma_start3A_305 = tpu.memref_slice %arg6[%dma_start3A_304] : memref<640xf32, #tpu.memory_space<vmem>> -> memref<632xf32, #tpu.memory_space<vmem>>
      %dma_start3A_306 = tpu.memref_slice %arg7[%mul3A_296] : memref<10112xf32, #tpu.memory_space<vmem_shared>> -> memref<632xf32, #tpu.memory_space<vmem_shared>>
      tpu.enqueue_dma source(%dma_start3A_306 : memref<632xf32, #tpu.memory_space<vmem_shared>>) target(%dma_start3A_305 : memref<632xf32, #tpu.memory_space<vmem>>) target_semaphore(%run_scoped3A : memref<!tpu.dma_semaphore, #tpu.memory_space<semaphore_mem>>)
      %dma_wait3A = arith.constant 0 : i32
      %dma_wait3A_307 = tpu.memref_slice %arg6[%dma_wait3A] : memref<640xf32, #tpu.memory_space<vmem>> -> memref<632xf32, #tpu.memory_space<vmem>>
      %dma_wait3A_308 = tpu.memref_slice %arg7[%mul3A_296] : memref<10112xf32, #tpu.memory_space<vmem_shared>> -> memref<632xf32, #tpu.memory_space<vmem_shared>>
      %dma_wait3A_309 = arith.constant 0 : i32
      %dma_wait3A_310 = tpu.memref_slice %arg6[%dma_wait3A_309] : memref<640xf32, #tpu.memory_space<vmem>> -> memref<632xf32, #tpu.memory_space<vmem>>
      %dma_wait3A_311 = tpu.memref_slice %arg7[%mul3A_296] : memref<10112xf32, #tpu.memory_space<vmem_shared>> -> memref<632xf32, #tpu.memory_space<vmem_shared>>
      tpu.wait_dma2 semaphore(%run_scoped3A : memref<!tpu.dma_semaphore, #tpu.memory_space<semaphore_mem>>) src(%dma_wait3A_311 : memref<632xf32, #tpu.memory_space<vmem_shared>>) dst(%dma_wait3A_310 : memref<632xf32, #tpu.memory_space<vmem>>)
      tpu.yield
    }) : () -> ()
    %mul3A_297 = arith.constant 10112 : i32
    %mul3A_298 = arith.muli %arg0, %mul3A_297 : i32
    %mul3A_299 = arith.constant 632 : i32
    %mul3A_300 = arith.muli %arg1, %mul3A_299 : i32
    %add3A_301 = arith.addi %mul3A_298, %mul3A_300 : i32
    "tpu.region"() ({
      %run_scoped3A = tpu.sem_alloc : memref<!tpu.dma_semaphore, #tpu.memory_space<semaphore_mem>>
      %dma_start3A = arith.constant 0 : i32
      %dma_start3A_302 = tpu.memref_slice %arg6[%dma_start3A] : memref<640xf32, #tpu.memory_space<vmem>> -> memref<632xf32, #tpu.memory_space<vmem>>
      %dma_start3A_303 = tpu.memref_slice %arg3[%add3A_301] : memref<20224xf32, #tpu.memory_space<hbm>> -> memref<632xf32, #tpu.memory_space<hbm>>
      %dma_start3A_304 = tpu.memref_slice %arg3[%add3A_301] : memref<20224xf32, #tpu.memory_space<hbm>> -> memref<632xf32, #tpu.memory_space<hbm>>
      %dma_start3A_305 = arith.constant 0 : i32
      %dma_start3A_306 = tpu.memref_slice %arg6[%dma_start3A_305] : memref<640xf32, #tpu.memory_space<vmem>> -> memref<632xf32, #tpu.memory_space<vmem>>
      tpu.enqueue_dma source(%dma_start3A_306 : memref<632xf32, #tpu.memory_space<vmem>>) target(%dma_start3A_304 : memref<632xf32, #tpu.memory_space<hbm>>) target_semaphore(%run_scoped3A : memref<!tpu.dma_semaphore, #tpu.memory_space<semaphore_mem>>)
      %dma_wait3A = arith.constant 0 : i32
      %dma_wait3A_307 = tpu.memref_slice %arg6[%dma_wait3A] : memref<640xf32, #tpu.memory_space<vmem>> -> memref<632xf32, #tpu.memory_space<vmem>>
      %dma_wait3A_308 = tpu.memref_slice %arg3[%add3A_301] : memref<20224xf32, #tpu.memory_space<hbm>> -> memref<632xf32, #tpu.memory_space<hbm>>
      %dma_wait3A_309 = tpu.memref_slice %arg3[%add3A_301] : memref<20224xf32, #tpu.memory_space<hbm>> -> memref<632xf32, #tpu.memory_space<hbm>>
      %dma_wait3A_310 = arith.constant 0 : i32
      %dma_wait3A_311 = tpu.memref_slice %arg6[%dma_wait3A_310] : memref<640xf32, #tpu.memory_space<vmem>> -> memref<632xf32, #tpu.memory_space<vmem>>
      tpu.wait_dma2 semaphore(%run_scoped3A : memref<!tpu.dma_semaphore, #tpu.memory_space<semaphore_mem>>) src(%dma_wait3A_311 : memref<632xf32, #tpu.memory_space<vmem>>) dst(%dma_wait3A_309 : memref<632xf32, #tpu.memory_space<hbm>>)
      tpu.yield
    }) : () -> ()
    return
  }
}

#map = affine_map<(d0, d1) -> (0, 0)>
#map1 = affine_map<(d0, d1) -> (0, 0, 0)>
module attributes {stable_mosaic.version = 14 : i64} {
  func.func @_seg_body(%arg0: i32, %arg1: i32, %arg2: memref<10000x128xf32, #tpu.memory_space<hbm>>, %arg3: memref<32x28x368xi32, #tpu.memory_space<hbm>>, %arg4: memref<32x28x368xi32, #tpu.memory_space<hbm>>, %arg5: memref<20224x128xf32, #tpu.memory_space<hbm>>, %arg6: memref<256xi32, #tpu.memory_space<vmem>>, %arg7: memref<256xi32, #tpu.memory_space<vmem>>, %arg8: memref<112xi32, #tpu.memory_space<vmem>>, %arg9: memref<112xi32, #tpu.memory_space<vmem>>, %arg10: memref<256x128xf32, #tpu.memory_space<vmem>>, %arg11: memref<112x128xf32, #tpu.memory_space<vmem>>, %arg12: memref<10112x128xf32, #tpu.memory_space<vmem_shared>>, %arg13: memref<!tpu.dma_semaphore, #tpu.memory_space<semaphore_mem>>, %arg14: memref<!tpu.dma_semaphore, #tpu.memory_space<semaphore_mem>>, %arg15: memref<!tpu.dma_semaphore, #tpu.memory_space<semaphore_mem>>, %arg16: memref<!tpu.dma_semaphore, #tpu.memory_space<semaphore_mem>>, %arg17: memref<!tpu.dma_semaphore, #tpu.memory_space<semaphore_mem>>, %arg18: memref<!tpu.dma_semaphore, #tpu.memory_space<semaphore_mem>>) attributes {dimension_semantics = [#tpu.dimension_semantics<core_parallel>, #tpu.dimension_semantics<subcore_parallel>], iteration_bounds = array<i64: 2, 16>, scalar_prefetch = 0 : i64, scratch_operands = 13 : i64, tpu.core_type = #tpu.core_type<sc_vector_subcore>, window_params = [{transform_indices = #map}, {transform_indices = #map1}, {transform_indices = #map1}, {transform_indices = #map}]} {
    %mul3A = arith.constant 2 : i32
    %mul3A_0 = arith.muli %arg1, %mul3A : i32
    %add3A = arith.addi %mul3A_0, %arg0 : i32
    %scan3A = arith.constant 0 : i32
    %scan3A_1 = arith.constant 0 : i32
    %scan3A_2 = arith.constant 128 : i32
    %scan3A_3 = arith.addi %scan3A_1, %scan3A_2 : i32
    %scan3A_4 = arith.constant 1 : i32
    scf.for %scan3A_62 = %scan3A_1 to %scan3A_3 step %scan3A_4  : i32 {
      %broadcast_in_dim3A = arith.constant 0.000000e+00 : f32
      %broadcast_in_dim3A_63 = vector.broadcast %broadcast_in_dim3A : f32 to vector<16xf32>
      %swap3A = arith.index_cast %scan3A_62 : i32 to index
      %swap3A_64 = arith.constant 0 : index
      %swap3A_65 = tpu.vector_load %arg10[%swap3A, %swap3A_64] {strides = array<i32>} : memref<256x128xf32, #tpu.memory_space<vmem>>, vector<1x16xf32>,
      %swap3A_66 = vector.shape_cast %swap3A_65 : vector<1x16xf32> to vector<16xf32>
      %swap3A_67 = vector.shape_cast %broadcast_in_dim3A_63 : vector<16xf32> to vector<1x16xf32>
      tpu.vector_store %arg10[%swap3A, %swap3A_64], %swap3A_67 {strides = array<i32>} : memref<256x128xf32, #tpu.memory_space<vmem>>, vector<1x16xf32>,
      %broadcast_in_dim3A_68 = arith.constant 0.000000e+00 : f32
      %broadcast_in_dim3A_69 = vector.broadcast %broadcast_in_dim3A_68 : f32 to vector<16xf32>
      %swap3A_70 = arith.index_cast %scan3A_62 : i32 to index
      %swap3A_71 = arith.constant 16 : index
      %swap3A_72 = tpu.vector_load %arg10[%swap3A_70, %swap3A_71] {strides = array<i32>} : memref<256x128xf32, #tpu.memory_space<vmem>>, vector<1x16xf32>,
      %swap3A_73 = vector.shape_cast %swap3A_72 : vector<1x16xf32> to vector<16xf32>
      %swap3A_74 = vector.shape_cast %broadcast_in_dim3A_69 : vector<16xf32> to vector<1x16xf32>
      tpu.vector_store %arg10[%swap3A_70, %swap3A_71], %swap3A_74 {strides = array<i32>} : memref<256x128xf32, #tpu.memory_space<vmem>>, vector<1x16xf32>,
      %broadcast_in_dim3A_75 = arith.constant 0.000000e+00 : f32
      %broadcast_in_dim3A_76 = vector.broadcast %broadcast_in_dim3A_75 : f32 to vector<16xf32>
      %swap3A_77 = arith.index_cast %scan3A_62 : i32 to index
      %swap3A_78 = arith.constant 32 : index
      %swap3A_79 = tpu.vector_load %arg10[%swap3A_77, %swap3A_78] {strides = array<i32>} : memref<256x128xf32, #tpu.memory_space<vmem>>, vector<1x16xf32>,
      %swap3A_80 = vector.shape_cast %swap3A_79 : vector<1x16xf32> to vector<16xf32>
      %swap3A_81 = vector.shape_cast %broadcast_in_dim3A_76 : vector<16xf32> to vector<1x16xf32>
      tpu.vector_store %arg10[%swap3A_77, %swap3A_78], %swap3A_81 {strides = array<i32>} : memref<256x128xf32, #tpu.memory_space<vmem>>, vector<1x16xf32>,
      %broadcast_in_dim3A_82 = arith.constant 0.000000e+00 : f32
      %broadcast_in_dim3A_83 = vector.broadcast %broadcast_in_dim3A_82 : f32 to vector<16xf32>
      %swap3A_84 = arith.index_cast %scan3A_62 : i32 to index
      %swap3A_85 = arith.constant 48 : index
      %swap3A_86 = tpu.vector_load %arg10[%swap3A_84, %swap3A_85] {strides = array<i32>} : memref<256x128xf32, #tpu.memory_space<vmem>>, vector<1x16xf32>,
      %swap3A_87 = vector.shape_cast %swap3A_86 : vector<1x16xf32> to vector<16xf32>
      %swap3A_88 = vector.shape_cast %broadcast_in_dim3A_83 : vector<16xf32> to vector<1x16xf32>
      tpu.vector_store %arg10[%swap3A_84, %swap3A_85], %swap3A_88 {strides = array<i32>} : memref<256x128xf32, #tpu.memory_space<vmem>>, vector<1x16xf32>,
      %broadcast_in_dim3A_89 = arith.constant 0.000000e+00 : f32
      %broadcast_in_dim3A_90 = vector.broadcast %broadcast_in_dim3A_89 : f32 to vector<16xf32>
      %swap3A_91 = arith.index_cast %scan3A_62 : i32 to index
      %swap3A_92 = arith.constant 64 : index
      %swap3A_93 = tpu.vector_load %arg10[%swap3A_91, %swap3A_92] {strides = array<i32>} : memref<256x128xf32, #tpu.memory_space<vmem>>, vector<1x16xf32>,
      %swap3A_94 = vector.shape_cast %swap3A_93 : vector<1x16xf32> to vector<16xf32>
      %swap3A_95 = vector.shape_cast %broadcast_in_dim3A_90 : vector<16xf32> to vector<1x16xf32>
      tpu.vector_store %arg10[%swap3A_91, %swap3A_92], %swap3A_95 {strides = array<i32>} : memref<256x128xf32, #tpu.memory_space<vmem>>, vector<1x16xf32>,
      %broadcast_in_dim3A_96 = arith.constant 0.000000e+00 : f32
      %broadcast_in_dim3A_97 = vector.broadcast %broadcast_in_dim3A_96 : f32 to vector<16xf32>
      %swap3A_98 = arith.index_cast %scan3A_62 : i32 to index
      %swap3A_99 = arith.constant 80 : index
      %swap3A_100 = tpu.vector_load %arg10[%swap3A_98, %swap3A_99] {strides = array<i32>} : memref<256x128xf32, #tpu.memory_space<vmem>>, vector<1x16xf32>,
      %swap3A_101 = vector.shape_cast %swap3A_100 : vector<1x16xf32> to vector<16xf32>
      %swap3A_102 = vector.shape_cast %broadcast_in_dim3A_97 : vector<16xf32> to vector<1x16xf32>
      tpu.vector_store %arg10[%swap3A_98, %swap3A_99], %swap3A_102 {strides = array<i32>} : memref<256x128xf32, #tpu.memory_space<vmem>>, vector<1x16xf32>,
      %broadcast_in_dim3A_103 = arith.constant 0.000000e+00 : f32
      %broadcast_in_dim3A_104 = vector.broadcast %broadcast_in_dim3A_103 : f32 to vector<16xf32>
      %swap3A_105 = arith.index_cast %scan3A_62 : i32 to index
      %swap3A_106 = arith.constant 96 : index
      %swap3A_107 = tpu.vector_load %arg10[%swap3A_105, %swap3A_106] {strides = array<i32>} : memref<256x128xf32, #tpu.memory_space<vmem>>, vector<1x16xf32>,
      %swap3A_108 = vector.shape_cast %swap3A_107 : vector<1x16xf32> to vector<16xf32>
      %swap3A_109 = vector.shape_cast %broadcast_in_dim3A_104 : vector<16xf32> to vector<1x16xf32>
      tpu.vector_store %arg10[%swap3A_105, %swap3A_106], %swap3A_109 {strides = array<i32>} : memref<256x128xf32, #tpu.memory_space<vmem>>, vector<1x16xf32>,
      %broadcast_in_dim3A_110 = arith.constant 0.000000e+00 : f32
      %broadcast_in_dim3A_111 = vector.broadcast %broadcast_in_dim3A_110 : f32 to vector<16xf32>
      %swap3A_112 = arith.index_cast %scan3A_62 : i32 to index
      %swap3A_113 = arith.constant 112 : index
      %swap3A_114 = tpu.vector_load %arg10[%swap3A_112, %swap3A_113] {strides = array<i32>} : memref<256x128xf32, #tpu.memory_space<vmem>>, vector<1x16xf32>,
      %swap3A_115 = vector.shape_cast %swap3A_114 : vector<1x16xf32> to vector<16xf32>
      %swap3A_116 = vector.shape_cast %broadcast_in_dim3A_111 : vector<16xf32> to vector<1x16xf32>
      tpu.vector_store %arg10[%swap3A_112, %swap3A_113], %swap3A_116 {strides = array<i32>} : memref<256x128xf32, #tpu.memory_space<vmem>>, vector<1x16xf32>,
    }
    %scan3A_5 = arith.constant 128 : i32
    %mul3A_6 = arith.constant 632 : i32
    %mul3A_7 = arith.muli %arg1, %mul3A_6 : i32
    %add3A_8 = arith.constant 0 : i32
    %add3A_9 = arith.addi %mul3A_7, %add3A_8 : i32
    "tpu.region"() ({
      %run_scoped3A_62 = tpu.sem_alloc : memref<!tpu.dma_semaphore, #tpu.memory_space<semaphore_mem>>
      %dma_start3A_63 = arith.constant 0 : i32
      %dma_start3A_64 = arith.constant 0 : i32
      %dma_start3A_65 = tpu.memref_slice %arg10[%dma_start3A_63, %dma_start3A_64] : memref<256x128xf32, #tpu.memory_space<vmem>> -> memref<128x128xf32, #tpu.memory_space<vmem>>
      %dma_start3A_66 = arith.constant 0 : i32
      %dma_start3A_67 = tpu.memref_slice %arg12[%add3A_9, %dma_start3A_66] : memref<10112x128xf32, #tpu.memory_space<vmem_shared>> -> memref<128x128xf32, #tpu.memory_space<vmem_shared>>
      %dma_start3A_68 = arith.constant 0 : i32
      %dma_start3A_69 = tpu.memref_slice %arg12[%add3A_9, %dma_start3A_68] : memref<10112x128xf32, #tpu.memory_space<vmem_shared>> -> memref<128x128xf32, #tpu.memory_space<vmem_shared>>
      %dma_start3A_70 = arith.constant 0 : i32
      %dma_start3A_71 = arith.constant 0 : i32
      %dma_start3A_72 = tpu.memref_slice %arg10[%dma_start3A_70, %dma_start3A_71] : memref<256x128xf32, #tpu.memory_space<vmem>> -> memref<128x128xf32, #tpu.memory_space<vmem>>
      tpu.enqueue_dma source(%dma_start3A_72 : memref<128x128xf32, #tpu.memory_space<vmem>>) target(%dma_start3A_69 : memref<128x128xf32, #tpu.memory_space<vmem_shared>>) target_semaphore(%run_scoped3A_62 : memref<!tpu.dma_semaphore, #tpu.memory_space<semaphore_mem>>)
      %dma_wait3A = arith.constant 0 : i32
      %dma_wait3A_73 = arith.constant 0 : i32
      %dma_wait3A_74 = tpu.memref_slice %arg10[%dma_wait3A, %dma_wait3A_73] : memref<256x128xf32, #tpu.memory_space<vmem>> -> memref<128x128xf32, #tpu.memory_space<vmem>>
      %dma_wait3A_75 = arith.constant 0 : i32
      %dma_wait3A_76 = tpu.memref_slice %arg12[%add3A_9, %dma_wait3A_75] : memref<10112x128xf32, #tpu.memory_space<vmem_shared>> -> memref<128x128xf32, #tpu.memory_space<vmem_shared>>
      %dma_wait3A_77 = arith.constant 0 : i32
      %dma_wait3A_78 = tpu.memref_slice %arg12[%add3A_9, %dma_wait3A_77] : memref<10112x128xf32, #tpu.memory_space<vmem_shared>> -> memref<128x128xf32, #tpu.memory_space<vmem_shared>>
      %dma_wait3A_79 = arith.constant 0 : i32
      %dma_wait3A_80 = arith.constant 0 : i32
      %dma_wait3A_81 = tpu.memref_slice %arg10[%dma_wait3A_79, %dma_wait3A_80] : memref<256x128xf32, #tpu.memory_space<vmem>> -> memref<128x128xf32, #tpu.memory_space<vmem>>
      tpu.wait_dma2 semaphore(%run_scoped3A_62 : memref<!tpu.dma_semaphore, #tpu.memory_space<semaphore_mem>>) src(%dma_wait3A_81 : memref<128x128xf32, #tpu.memory_space<vmem>>) dst(%dma_wait3A_78 : memref<128x128xf32, #tpu.memory_space<vmem_shared>>)
      tpu.yield
    }) : () -> ()
    %mul3A_10 = arith.constant 632 : i32
    %mul3A_11 = arith.muli %arg1, %mul3A_10 : i32
    %add3A_12 = arith.constant 128 : i32
    %add3A_13 = arith.addi %mul3A_11, %add3A_12 : i32
    "tpu.region"() ({
      %run_scoped3A_62 = tpu.sem_alloc : memref<!tpu.dma_semaphore, #tpu.memory_space<semaphore_mem>>
      %dma_start3A_63 = arith.constant 0 : i32
      %dma_start3A_64 = arith.constant 0 : i32
      %dma_start3A_65 = tpu.memref_slice %arg10[%dma_start3A_63, %dma_start3A_64] : memref<256x128xf32, #tpu.memory_space<vmem>> -> memref<128x128xf32, #tpu.memory_space<vmem>>
      %dma_start3A_66 = arith.constant 0 : i32
      %dma_start3A_67 = tpu.memref_slice %arg12[%add3A_13, %dma_start3A_66] : memref<10112x128xf32, #tpu.memory_space<vmem_shared>> -> memref<128x128xf32, #tpu.memory_space<vmem_shared>>
      %dma_start3A_68 = arith.constant 0 : i32
      %dma_start3A_69 = tpu.memref_slice %arg12[%add3A_13, %dma_start3A_68] : memref<10112x128xf32, #tpu.memory_space<vmem_shared>> -> memref<128x128xf32, #tpu.memory_space<vmem_shared>>
      %dma_start3A_70 = arith.constant 0 : i32
      %dma_start3A_71 = arith.constant 0 : i32
      %dma_start3A_72 = tpu.memref_slice %arg10[%dma_start3A_70, %dma_start3A_71] : memref<256x128xf32, #tpu.memory_space<vmem>> -> memref<128x128xf32, #tpu.memory_space<vmem>>
      tpu.enqueue_dma source(%dma_start3A_72 : memref<128x128xf32, #tpu.memory_space<vmem>>) target(%dma_start3A_69 : memref<128x128xf32, #tpu.memory_space<vmem_shared>>) target_semaphore(%run_scoped3A_62 : memref<!tpu.dma_semaphore, #tpu.memory_space<semaphore_mem>>)
      %dma_wait3A = arith.constant 0 : i32
      %dma_wait3A_73 = arith.constant 0 : i32
      %dma_wait3A_74 = tpu.memref_slice %arg10[%dma_wait3A, %dma_wait3A_73] : memref<256x128xf32, #tpu.memory_space<vmem>> -> memref<128x128xf32, #tpu.memory_space<vmem>>
      %dma_wait3A_75 = arith.constant 0 : i32
      %dma_wait3A_76 = tpu.memref_slice %arg12[%add3A_13, %dma_wait3A_75] : memref<10112x128xf32, #tpu.memory_space<vmem_shared>> -> memref<128x128xf32, #tpu.memory_space<vmem_shared>>
      %dma_wait3A_77 = arith.constant 0 : i32
      %dma_wait3A_78 = tpu.memref_slice %arg12[%add3A_13, %dma_wait3A_77] : memref<10112x128xf32, #tpu.memory_space<vmem_shared>> -> memref<128x128xf32, #tpu.memory_space<vmem_shared>>
      %dma_wait3A_79 = arith.constant 0 : i32
      %dma_wait3A_80 = arith.constant 0 : i32
      %dma_wait3A_81 = tpu.memref_slice %arg10[%dma_wait3A_79, %dma_wait3A_80] : memref<256x128xf32, #tpu.memory_space<vmem>> -> memref<128x128xf32, #tpu.memory_space<vmem>>
      tpu.wait_dma2 semaphore(%run_scoped3A_62 : memref<!tpu.dma_semaphore, #tpu.memory_space<semaphore_mem>>) src(%dma_wait3A_81 : memref<128x128xf32, #tpu.memory_space<vmem>>) dst(%dma_wait3A_78 : memref<128x128xf32, #tpu.memory_space<vmem_shared>>)
      tpu.yield
    }) : () -> ()
    %mul3A_14 = arith.constant 632 : i32
    %mul3A_15 = arith.muli %arg1, %mul3A_14 : i32
    %add3A_16 = arith.constant 256 : i32
    %add3A_17 = arith.addi %mul3A_15, %add3A_16 : i32
    "tpu.region"() ({
      %run_scoped3A_62 = tpu.sem_alloc : memref<!tpu.dma_semaphore, #tpu.memory_space<semaphore_mem>>
      %dma_start3A_63 = arith.constant 0 : i32
      %dma_start3A_64 = arith.constant 0 : i32
      %dma_start3A_65 = tpu.memref_slice %arg10[%dma_start3A_63, %dma_start3A_64] : memref<256x128xf32, #tpu.memory_space<vmem>> -> memref<128x128xf32, #tpu.memory_space<vmem>>
      %dma_start3A_66 = arith.constant 0 : i32
      %dma_start3A_67 = tpu.memref_slice %arg12[%add3A_17, %dma_start3A_66] : memref<10112x128xf32, #tpu.memory_space<vmem_shared>> -> memref<128x128xf32, #tpu.memory_space<vmem_shared>>
      %dma_start3A_68 = arith.constant 0 : i32
      %dma_start3A_69 = tpu.memref_slice %arg12[%add3A_17, %dma_start3A_68] : memref<10112x128xf32, #tpu.memory_space<vmem_shared>> -> memref<128x128xf32, #tpu.memory_space<vmem_shared>>
      %dma_start3A_70 = arith.constant 0 : i32
      %dma_start3A_71 = arith.constant 0 : i32
      %dma_start3A_72 = tpu.memref_slice %arg10[%dma_start3A_70, %dma_start3A_71] : memref<256x128xf32, #tpu.memory_space<vmem>> -> memref<128x128xf32, #tpu.memory_space<vmem>>
      tpu.enqueue_dma source(%dma_start3A_72 : memref<128x128xf32, #tpu.memory_space<vmem>>) target(%dma_start3A_69 : memref<128x128xf32, #tpu.memory_space<vmem_shared>>) target_semaphore(%run_scoped3A_62 : memref<!tpu.dma_semaphore, #tpu.memory_space<semaphore_mem>>)
      %dma_wait3A = arith.constant 0 : i32
      %dma_wait3A_73 = arith.constant 0 : i32
      %dma_wait3A_74 = tpu.memref_slice %arg10[%dma_wait3A, %dma_wait3A_73] : memref<256x128xf32, #tpu.memory_space<vmem>> -> memref<128x128xf32, #tpu.memory_space<vmem>>
      %dma_wait3A_75 = arith.constant 0 : i32
      %dma_wait3A_76 = tpu.memref_slice %arg12[%add3A_17, %dma_wait3A_75] : memref<10112x128xf32, #tpu.memory_space<vmem_shared>> -> memref<128x128xf32, #tpu.memory_space<vmem_shared>>
      %dma_wait3A_77 = arith.constant 0 : i32
      %dma_wait3A_78 = tpu.memref_slice %arg12[%add3A_17, %dma_wait3A_77] : memref<10112x128xf32, #tpu.memory_space<vmem_shared>> -> memref<128x128xf32, #tpu.memory_space<vmem_shared>>
      %dma_wait3A_79 = arith.constant 0 : i32
      %dma_wait3A_80 = arith.constant 0 : i32
      %dma_wait3A_81 = tpu.memref_slice %arg10[%dma_wait3A_79, %dma_wait3A_80] : memref<256x128xf32, #tpu.memory_space<vmem>> -> memref<128x128xf32, #tpu.memory_space<vmem>>
      tpu.wait_dma2 semaphore(%run_scoped3A_62 : memref<!tpu.dma_semaphore, #tpu.memory_space<semaphore_mem>>) src(%dma_wait3A_81 : memref<128x128xf32, #tpu.memory_space<vmem>>) dst(%dma_wait3A_78 : memref<128x128xf32, #tpu.memory_space<vmem_shared>>)
      tpu.yield
    }) : () -> ()
    %mul3A_18 = arith.constant 632 : i32
    %mul3A_19 = arith.muli %arg1, %mul3A_18 : i32
    %add3A_20 = arith.constant 384 : i32
    %add3A_21 = arith.addi %mul3A_19, %add3A_20 : i32
    "tpu.region"() ({
      %run_scoped3A_62 = tpu.sem_alloc : memref<!tpu.dma_semaphore, #tpu.memory_space<semaphore_mem>>
      %dma_start3A_63 = arith.constant 0 : i32
      %dma_start3A_64 = arith.constant 0 : i32
      %dma_start3A_65 = tpu.memref_slice %arg10[%dma_start3A_63, %dma_start3A_64] : memref<256x128xf32, #tpu.memory_space<vmem>> -> memref<128x128xf32, #tpu.memory_space<vmem>>
      %dma_start3A_66 = arith.constant 0 : i32
      %dma_start3A_67 = tpu.memref_slice %arg12[%add3A_21, %dma_start3A_66] : memref<10112x128xf32, #tpu.memory_space<vmem_shared>> -> memref<128x128xf32, #tpu.memory_space<vmem_shared>>
      %dma_start3A_68 = arith.constant 0 : i32
      %dma_start3A_69 = tpu.memref_slice %arg12[%add3A_21, %dma_start3A_68] : memref<10112x128xf32, #tpu.memory_space<vmem_shared>> -> memref<128x128xf32, #tpu.memory_space<vmem_shared>>
      %dma_start3A_70 = arith.constant 0 : i32
      %dma_start3A_71 = arith.constant 0 : i32
      %dma_start3A_72 = tpu.memref_slice %arg10[%dma_start3A_70, %dma_start3A_71] : memref<256x128xf32, #tpu.memory_space<vmem>> -> memref<128x128xf32, #tpu.memory_space<vmem>>
      tpu.enqueue_dma source(%dma_start3A_72 : memref<128x128xf32, #tpu.memory_space<vmem>>) target(%dma_start3A_69 : memref<128x128xf32, #tpu.memory_space<vmem_shared>>) target_semaphore(%run_scoped3A_62 : memref<!tpu.dma_semaphore, #tpu.memory_space<semaphore_mem>>)
      %dma_wait3A = arith.constant 0 : i32
      %dma_wait3A_73 = arith.constant 0 : i32
      %dma_wait3A_74 = tpu.memref_slice %arg10[%dma_wait3A, %dma_wait3A_73] : memref<256x128xf32, #tpu.memory_space<vmem>> -> memref<128x128xf32, #tpu.memory_space<vmem>>
      %dma_wait3A_75 = arith.constant 0 : i32
      %dma_wait3A_76 = tpu.memref_slice %arg12[%add3A_21, %dma_wait3A_75] : memref<10112x128xf32, #tpu.memory_space<vmem_shared>> -> memref<128x128xf32, #tpu.memory_space<vmem_shared>>
      %dma_wait3A_77 = arith.constant 0 : i32
      %dma_wait3A_78 = tpu.memref_slice %arg12[%add3A_21, %dma_wait3A_77] : memref<10112x128xf32, #tpu.memory_space<vmem_shared>> -> memref<128x128xf32, #tpu.memory_space<vmem_shared>>
      %dma_wait3A_79 = arith.constant 0 : i32
      %dma_wait3A_80 = arith.constant 0 : i32
      %dma_wait3A_81 = tpu.memref_slice %arg10[%dma_wait3A_79, %dma_wait3A_80] : memref<256x128xf32, #tpu.memory_space<vmem>> -> memref<128x128xf32, #tpu.memory_space<vmem>>
      tpu.wait_dma2 semaphore(%run_scoped3A_62 : memref<!tpu.dma_semaphore, #tpu.memory_space<semaphore_mem>>) src(%dma_wait3A_81 : memref<128x128xf32, #tpu.memory_space<vmem>>) dst(%dma_wait3A_78 : memref<128x128xf32, #tpu.memory_space<vmem_shared>>)
      tpu.yield
    }) : () -> ()
    %mul3A_22 = arith.constant 632 : i32
    %mul3A_23 = arith.muli %arg1, %mul3A_22 : i32
    %add3A_24 = arith.constant 512 : i32
    %add3A_25 = arith.addi %mul3A_23, %add3A_24 : i32
    "tpu.region"() ({
      %run_scoped3A_62 = tpu.sem_alloc : memref<!tpu.dma_semaphore, #tpu.memory_space<semaphore_mem>>
      %dma_start3A_63 = arith.constant 0 : i32
      %dma_start3A_64 = arith.constant 0 : i32
      %dma_start3A_65 = tpu.memref_slice %arg10[%dma_start3A_63, %dma_start3A_64] : memref<256x128xf32, #tpu.memory_space<vmem>> -> memref<120x128xf32, #tpu.memory_space<vmem>>
      %dma_start3A_66 = arith.constant 0 : i32
      %dma_start3A_67 = tpu.memref_slice %arg12[%add3A_25, %dma_start3A_66] : memref<10112x128xf32, #tpu.memory_space<vmem_shared>> -> memref<120x128xf32, #tpu.memory_space<vmem_shared>>
      %dma_start3A_68 = arith.constant 0 : i32
      %dma_start3A_69 = tpu.memref_slice %arg12[%add3A_25, %dma_start3A_68] : memref<10112x128xf32, #tpu.memory_space<vmem_shared>> -> memref<120x128xf32, #tpu.memory_space<vmem_shared>>
      %dma_start3A_70 = arith.constant 0 : i32
      %dma_start3A_71 = arith.constant 0 : i32
      %dma_start3A_72 = tpu.memref_slice %arg10[%dma_start3A_70, %dma_start3A_71] : memref<256x128xf32, #tpu.memory_space<vmem>> -> memref<120x128xf32, #tpu.memory_space<vmem>>
      tpu.enqueue_dma source(%dma_start3A_72 : memref<120x128xf32, #tpu.memory_space<vmem>>) target(%dma_start3A_69 : memref<120x128xf32, #tpu.memory_space<vmem_shared>>) target_semaphore(%run_scoped3A_62 : memref<!tpu.dma_semaphore, #tpu.memory_space<semaphore_mem>>)
      %dma_wait3A = arith.constant 0 : i32
      %dma_wait3A_73 = arith.constant 0 : i32
      %dma_wait3A_74 = tpu.memref_slice %arg10[%dma_wait3A, %dma_wait3A_73] : memref<256x128xf32, #tpu.memory_space<vmem>> -> memref<120x128xf32, #tpu.memory_space<vmem>>
      %dma_wait3A_75 = arith.constant 0 : i32
      %dma_wait3A_76 = tpu.memref_slice %arg12[%add3A_25, %dma_wait3A_75] : memref<10112x128xf32, #tpu.memory_space<vmem_shared>> -> memref<120x128xf32, #tpu.memory_space<vmem_shared>>
      %dma_wait3A_77 = arith.constant 0 : i32
      %dma_wait3A_78 = tpu.memref_slice %arg12[%add3A_25, %dma_wait3A_77] : memref<10112x128xf32, #tpu.memory_space<vmem_shared>> -> memref<120x128xf32, #tpu.memory_space<vmem_shared>>
      %dma_wait3A_79 = arith.constant 0 : i32
      %dma_wait3A_80 = arith.constant 0 : i32
      %dma_wait3A_81 = tpu.memref_slice %arg10[%dma_wait3A_79, %dma_wait3A_80] : memref<256x128xf32, #tpu.memory_space<vmem>> -> memref<120x128xf32, #tpu.memory_space<vmem>>
      tpu.wait_dma2 semaphore(%run_scoped3A_62 : memref<!tpu.dma_semaphore, #tpu.memory_space<semaphore_mem>>) src(%dma_wait3A_81 : memref<120x128xf32, #tpu.memory_space<vmem>>) dst(%dma_wait3A_78 : memref<120x128xf32, #tpu.memory_space<vmem_shared>>)
      tpu.yield
    }) : () -> ()
    %barrier3A = arith.constant 0 : index
    tpu.barrier barrier_id(%barrier3A)
    %run_scoped3A = arith.constant 0 : i32
    "tpu.region"() ({
      %run_scoped3A_62 = tpu.sem_alloc : memref<!tpu.dma_semaphore, #tpu.memory_space<semaphore_mem>>
      %dma_start3A_63 = arith.constant 0 : i32
      %dma_start3A_64 = arith.constant 0 : i32
      %dma_start3A_65 = tpu.memref_slice %arg3[%add3A, %dma_start3A_63, %dma_start3A_64] : memref<32x28x368xi32, #tpu.memory_space<hbm>> -> memref<1x28x368xi32, #tpu.memory_space<hbm>>
      %dma_start3A_66 = tpu.memref_squeeze %dma_start3A_65 : memref<1x28x368xi32, #tpu.memory_space<hbm>> -> memref<28x368xi32, #tpu.memory_space<hbm>>
      %dma_start3A_67 = arith.constant 0 : i32
      %dma_start3A_68 = tpu.memref_slice %dma_start3A_66[%run_scoped3A, %dma_start3A_67] : memref<28x368xi32, #tpu.memory_space<hbm>> -> memref<1x368xi32, #tpu.memory_space<hbm>>
      %dma_start3A_69 = tpu.memref_squeeze %dma_start3A_68 : memref<1x368xi32, #tpu.memory_space<hbm>> -> memref<368xi32, #tpu.memory_space<hbm>>
      %dma_start3A_70 = arith.constant 0 : i32
      %dma_start3A_71 = tpu.memref_slice %dma_start3A_69[%dma_start3A_70] : memref<368xi32, #tpu.memory_space<hbm>> -> memref<256xi32, #tpu.memory_space<hbm>>
      %dma_start3A_72 = arith.constant 0 : i32
      %dma_start3A_73 = arith.constant 0 : i32
      %dma_start3A_74 = tpu.memref_slice %arg3[%add3A, %dma_start3A_72, %dma_start3A_73] : memref<32x28x368xi32, #tpu.memory_space<hbm>> -> memref<1x28x368xi32, #tpu.memory_space<hbm>>
      %dma_start3A_75 = tpu.memref_squeeze %dma_start3A_74 : memref<1x28x368xi32, #tpu.memory_space<hbm>> -> memref<28x368xi32, #tpu.memory_space<hbm>>
      %dma_start3A_76 = arith.constant 0 : i32
      %dma_start3A_77 = tpu.memref_slice %dma_start3A_75[%run_scoped3A, %dma_start3A_76] : memref<28x368xi32, #tpu.memory_space<hbm>> -> memref<1x368xi32, #tpu.memory_space<hbm>>
      %dma_start3A_78 = tpu.memref_squeeze %dma_start3A_77 : memref<1x368xi32, #tpu.memory_space<hbm>> -> memref<368xi32, #tpu.memory_space<hbm>>
      %dma_start3A_79 = arith.constant 0 : i32
      %dma_start3A_80 = tpu.memref_slice %dma_start3A_78[%dma_start3A_79] : memref<368xi32, #tpu.memory_space<hbm>> -> memref<256xi32, #tpu.memory_space<hbm>>
      tpu.enqueue_dma source(%dma_start3A_80 : memref<256xi32, #tpu.memory_space<hbm>>) target(%arg6 : memref<256xi32, #tpu.memory_space<vmem>>) target_semaphore(%run_scoped3A_62 : memref<!tpu.dma_semaphore, #tpu.memory_space<semaphore_mem>>)
      %dma_wait3A = arith.constant 0 : i32
      %dma_wait3A_81 = arith.constant 0 : i32
      %dma_wait3A_82 = tpu.memref_slice %arg3[%add3A, %dma_wait3A, %dma_wait3A_81] : memref<32x28x368xi32, #tpu.memory_space<hbm>> -> memref<1x28x368xi32, #tpu.memory_space<hbm>>
      %dma_wait3A_83 = tpu.memref_squeeze %dma_wait3A_82 : memref<1x28x368xi32, #tpu.memory_space<hbm>> -> memref<28x368xi32, #tpu.memory_space<hbm>>
      %dma_wait3A_84 = arith.constant 0 : i32
      %dma_wait3A_85 = tpu.memref_slice %dma_wait3A_83[%run_scoped3A, %dma_wait3A_84] : memref<28x368xi32, #tpu.memory_space<hbm>> -> memref<1x368xi32, #tpu.memory_space<hbm>>
      %dma_wait3A_86 = tpu.memref_squeeze %dma_wait3A_85 : memref<1x368xi32, #tpu.memory_space<hbm>> -> memref<368xi32, #tpu.memory_space<hbm>>
      %dma_wait3A_87 = arith.constant 0 : i32
      %dma_wait3A_88 = tpu.memref_slice %dma_wait3A_86[%dma_wait3A_87] : memref<368xi32, #tpu.memory_space<hbm>> -> memref<256xi32, #tpu.memory_space<hbm>>
      %dma_wait3A_89 = arith.constant 0 : i32
      %dma_wait3A_90 = arith.constant 0 : i32
      %dma_wait3A_91 = tpu.memref_slice %arg3[%add3A, %dma_wait3A_89, %dma_wait3A_90] : memref<32x28x368xi32, #tpu.memory_space<hbm>> -> memref<1x28x368xi32, #tpu.memory_space<hbm>>
      %dma_wait3A_92 = tpu.memref_squeeze %dma_wait3A_91 : memref<1x28x368xi32, #tpu.memory_space<hbm>> -> memref<28x368xi32, #tpu.memory_space<hbm>>
      %dma_wait3A_93 = arith.constant 0 : i32
      %dma_wait3A_94 = tpu.memref_slice %dma_wait3A_92[%run_scoped3A, %dma_wait3A_93] : memref<28x368xi32, #tpu.memory_space<hbm>> -> memref<1x368xi32, #tpu.memory_space<hbm>>
      %dma_wait3A_95 = tpu.memref_squeeze %dma_wait3A_94 : memref<1x368xi32, #tpu.memory_space<hbm>> -> memref<368xi32, #tpu.memory_space<hbm>>
      %dma_wait3A_96 = arith.constant 0 : i32
      %dma_wait3A_97 = tpu.memref_slice %dma_wait3A_95[%dma_wait3A_96] : memref<368xi32, #tpu.memory_space<hbm>> -> memref<256xi32, #tpu.memory_space<hbm>>
      tpu.wait_dma2 semaphore(%run_scoped3A_62 : memref<!tpu.dma_semaphore, #tpu.memory_space<semaphore_mem>>) src(%dma_wait3A_97 : memref<256xi32, #tpu.memory_space<hbm>>) dst(%arg6 : memref<256xi32, #tpu.memory_space<vmem>>)
      tpu.yield
    }) : () -> ()
    %run_scoped3A_26 = arith.constant 0 : i32
    "tpu.region"() ({
      %run_scoped3A_62 = tpu.sem_alloc : memref<!tpu.dma_semaphore, #tpu.memory_space<semaphore_mem>>
      %dma_start3A_63 = arith.constant 0 : i32
      %dma_start3A_64 = arith.constant 0 : i32
      %dma_start3A_65 = tpu.memref_slice %arg4[%add3A, %dma_start3A_63, %dma_start3A_64] : memref<32x28x368xi32, #tpu.memory_space<hbm>> -> memref<1x28x368xi32, #tpu.memory_space<hbm>>
      %dma_start3A_66 = tpu.memref_squeeze %dma_start3A_65 : memref<1x28x368xi32, #tpu.memory_space<hbm>> -> memref<28x368xi32, #tpu.memory_space<hbm>>
      %dma_start3A_67 = arith.constant 0 : i32
      %dma_start3A_68 = tpu.memref_slice %dma_start3A_66[%run_scoped3A_26, %dma_start3A_67] : memref<28x368xi32, #tpu.memory_space<hbm>> -> memref<1x368xi32, #tpu.memory_space<hbm>>
      %dma_start3A_69 = tpu.memref_squeeze %dma_start3A_68 : memref<1x368xi32, #tpu.memory_space<hbm>> -> memref<368xi32, #tpu.memory_space<hbm>>
      %dma_start3A_70 = arith.constant 0 : i32
      %dma_start3A_71 = tpu.memref_slice %dma_start3A_69[%dma_start3A_70] : memref<368xi32, #tpu.memory_space<hbm>> -> memref<256xi32, #tpu.memory_space<hbm>>
      %dma_start3A_72 = arith.constant 0 : i32
      %dma_start3A_73 = arith.constant 0 : i32
      %dma_start3A_74 = tpu.memref_slice %arg4[%add3A, %dma_start3A_72, %dma_start3A_73] : memref<32x28x368xi32, #tpu.memory_space<hbm>> -> memref<1x28x368xi32, #tpu.memory_space<hbm>>
      %dma_start3A_75 = tpu.memref_squeeze %dma_start3A_74 : memref<1x28x368xi32, #tpu.memory_space<hbm>> -> memref<28x368xi32, #tpu.memory_space<hbm>>
      %dma_start3A_76 = arith.constant 0 : i32
      %dma_start3A_77 = tpu.memref_slice %dma_start3A_75[%run_scoped3A_26, %dma_start3A_76] : memref<28x368xi32, #tpu.memory_space<hbm>> -> memref<1x368xi32, #tpu.memory_space<hbm>>
      %dma_start3A_78 = tpu.memref_squeeze %dma_start3A_77 : memref<1x368xi32, #tpu.memory_space<hbm>> -> memref<368xi32, #tpu.memory_space<hbm>>
      %dma_start3A_79 = arith.constant 0 : i32
      %dma_start3A_80 = tpu.memref_slice %dma_start3A_78[%dma_start3A_79] : memref<368xi32, #tpu.memory_space<hbm>> -> memref<256xi32, #tpu.memory_space<hbm>>
      tpu.enqueue_dma source(%dma_start3A_80 : memref<256xi32, #tpu.memory_space<hbm>>) target(%arg7 : memref<256xi32, #tpu.memory_space<vmem>>) target_semaphore(%run_scoped3A_62 : memref<!tpu.dma_semaphore, #tpu.memory_space<semaphore_mem>>)
      %dma_wait3A = arith.constant 0 : i32
      %dma_wait3A_81 = arith.constant 0 : i32
      %dma_wait3A_82 = tpu.memref_slice %arg4[%add3A, %dma_wait3A, %dma_wait3A_81] : memref<32x28x368xi32, #tpu.memory_space<hbm>> -> memref<1x28x368xi32, #tpu.memory_space<hbm>>
      %dma_wait3A_83 = tpu.memref_squeeze %dma_wait3A_82 : memref<1x28x368xi32, #tpu.memory_space<hbm>> -> memref<28x368xi32, #tpu.memory_space<hbm>>
      %dma_wait3A_84 = arith.constant 0 : i32
      %dma_wait3A_85 = tpu.memref_slice %dma_wait3A_83[%run_scoped3A_26, %dma_wait3A_84] : memref<28x368xi32, #tpu.memory_space<hbm>> -> memref<1x368xi32, #tpu.memory_space<hbm>>
      %dma_wait3A_86 = tpu.memref_squeeze %dma_wait3A_85 : memref<1x368xi32, #tpu.memory_space<hbm>> -> memref<368xi32, #tpu.memory_space<hbm>>
      %dma_wait3A_87 = arith.constant 0 : i32
      %dma_wait3A_88 = tpu.memref_slice %dma_wait3A_86[%dma_wait3A_87] : memref<368xi32, #tpu.memory_space<hbm>> -> memref<256xi32, #tpu.memory_space<hbm>>
      %dma_wait3A_89 = arith.constant 0 : i32
      %dma_wait3A_90 = arith.constant 0 : i32
      %dma_wait3A_91 = tpu.memref_slice %arg4[%add3A, %dma_wait3A_89, %dma_wait3A_90] : memref<32x28x368xi32, #tpu.memory_space<hbm>> -> memref<1x28x368xi32, #tpu.memory_space<hbm>>
      %dma_wait3A_92 = tpu.memref_squeeze %dma_wait3A_91 : memref<1x28x368xi32, #tpu.memory_space<hbm>> -> memref<28x368xi32, #tpu.memory_space<hbm>>
      %dma_wait3A_93 = arith.constant 0 : i32
      %dma_wait3A_94 = tpu.memref_slice %dma_wait3A_92[%run_scoped3A_26, %dma_wait3A_93] : memref<28x368xi32, #tpu.memory_space<hbm>> -> memref<1x368xi32, #tpu.memory_space<hbm>>
      %dma_wait3A_95 = tpu.memref_squeeze %dma_wait3A_94 : memref<1x368xi32, #tpu.memory_space<hbm>> -> memref<368xi32, #tpu.memory_space<hbm>>
      %dma_wait3A_96 = arith.constant 0 : i32
      %dma_wait3A_97 = tpu.memref_slice %dma_wait3A_95[%dma_wait3A_96] : memref<368xi32, #tpu.memory_space<hbm>> -> memref<256xi32, #tpu.memory_space<hbm>>
      tpu.wait_dma2 semaphore(%run_scoped3A_62 : memref<!tpu.dma_semaphore, #tpu.memory_space<semaphore_mem>>) src(%dma_wait3A_97 : memref<256xi32, #tpu.memory_space<hbm>>) dst(%arg7 : memref<256xi32, #tpu.memory_space<vmem>>)
      tpu.yield
    }) : () -> ()
    %run_scoped3A_27 = arith.constant 0 : i32
    "tpu.region"() ({
      %run_scoped3A_62 = tpu.sem_alloc : memref<!tpu.dma_semaphore, #tpu.memory_space<semaphore_mem>>
      %dma_start3A_63 = arith.constant 0 : i32
      %dma_start3A_64 = arith.constant 0 : i32
      %dma_start3A_65 = tpu.memref_slice %arg3[%add3A, %dma_start3A_63, %dma_start3A_64] : memref<32x28x368xi32, #tpu.memory_space<hbm>> -> memref<1x28x368xi32, #tpu.memory_space<hbm>>
      %dma_start3A_66 = tpu.memref_squeeze %dma_start3A_65 : memref<1x28x368xi32, #tpu.memory_space<hbm>> -> memref<28x368xi32, #tpu.memory_space<hbm>>
      %dma_start3A_67 = arith.constant 0 : i32
      %dma_start3A_68 = tpu.memref_slice %dma_start3A_66[%run_scoped3A_27, %dma_start3A_67] : memref<28x368xi32, #tpu.memory_space<hbm>> -> memref<1x368xi32, #tpu.memory_space<hbm>>
      %dma_start3A_69 = tpu.memref_squeeze %dma_start3A_68 : memref<1x368xi32, #tpu.memory_space<hbm>> -> memref<368xi32, #tpu.memory_space<hbm>>
      %dma_start3A_70 = arith.constant 256 : i32
      %dma_start3A_71 = tpu.memref_slice %dma_start3A_69[%dma_start3A_70] : memref<368xi32, #tpu.memory_space<hbm>> -> memref<112xi32, #tpu.memory_space<hbm>>
      %dma_start3A_72 = arith.constant 0 : i32
      %dma_start3A_73 = arith.constant 0 : i32
      %dma_start3A_74 = tpu.memref_slice %arg3[%add3A, %dma_start3A_72, %dma_start3A_73] : memref<32x28x368xi32, #tpu.memory_space<hbm>> -> memref<1x28x368xi32, #tpu.memory_space<hbm>>
      %dma_start3A_75 = tpu.memref_squeeze %dma_start3A_74 : memref<1x28x368xi32, #tpu.memory_space<hbm>> -> memref<28x368xi32, #tpu.memory_space<hbm>>
      %dma_start3A_76 = arith.constant 0 : i32
      %dma_start3A_77 = tpu.memref_slice %dma_start3A_75[%run_scoped3A_27, %dma_start3A_76] : memref<28x368xi32, #tpu.memory_space<hbm>> -> memref<1x368xi32, #tpu.memory_space<hbm>>
      %dma_start3A_78 = tpu.memref_squeeze %dma_start3A_77 : memref<1x368xi32, #tpu.memory_space<hbm>> -> memref<368xi32, #tpu.memory_space<hbm>>
      %dma_start3A_79 = arith.constant 256 : i32
      %dma_start3A_80 = tpu.memref_slice %dma_start3A_78[%dma_start3A_79] : memref<368xi32, #tpu.memory_space<hbm>> -> memref<112xi32, #tpu.memory_space<hbm>>
      tpu.enqueue_dma source(%dma_start3A_80 : memref<112xi32, #tpu.memory_space<hbm>>) target(%arg8 : memref<112xi32, #tpu.memory_space<vmem>>) target_semaphore(%run_scoped3A_62 : memref<!tpu.dma_semaphore, #tpu.memory_space<semaphore_mem>>)
      %dma_wait3A = arith.constant 0 : i32
      %dma_wait3A_81 = arith.constant 0 : i32
      %dma_wait3A_82 = tpu.memref_slice %arg3[%add3A, %dma_wait3A, %dma_wait3A_81] : memref<32x28x368xi32, #tpu.memory_space<hbm>> -> memref<1x28x368xi32, #tpu.memory_space<hbm>>
      %dma_wait3A_83 = tpu.memref_squeeze %dma_wait3A_82 : memref<1x28x368xi32, #tpu.memory_space<hbm>> -> memref<28x368xi32, #tpu.memory_space<hbm>>
      %dma_wait3A_84 = arith.constant 0 : i32
      %dma_wait3A_85 = tpu.memref_slice %dma_wait3A_83[%run_scoped3A_27, %dma_wait3A_84] : memref<28x368xi32, #tpu.memory_space<hbm>> -> memref<1x368xi32, #tpu.memory_space<hbm>>
      %dma_wait3A_86 = tpu.memref_squeeze %dma_wait3A_85 : memref<1x368xi32, #tpu.memory_space<hbm>> -> memref<368xi32, #tpu.memory_space<hbm>>
      %dma_wait3A_87 = arith.constant 256 : i32
      %dma_wait3A_88 = tpu.memref_slice %dma_wait3A_86[%dma_wait3A_87] : memref<368xi32, #tpu.memory_space<hbm>> -> memref<112xi32, #tpu.memory_space<hbm>>
      %dma_wait3A_89 = arith.constant 0 : i32
      %dma_wait3A_90 = arith.constant 0 : i32
      %dma_wait3A_91 = tpu.memref_slice %arg3[%add3A, %dma_wait3A_89, %dma_wait3A_90] : memref<32x28x368xi32, #tpu.memory_space<hbm>> -> memref<1x28x368xi32, #tpu.memory_space<hbm>>
      %dma_wait3A_92 = tpu.memref_squeeze %dma_wait3A_91 : memref<1x28x368xi32, #tpu.memory_space<hbm>> -> memref<28x368xi32, #tpu.memory_space<hbm>>
      %dma_wait3A_93 = arith.constant 0 : i32
      %dma_wait3A_94 = tpu.memref_slice %dma_wait3A_92[%run_scoped3A_27, %dma_wait3A_93] : memref<28x368xi32, #tpu.memory_space<hbm>> -> memref<1x368xi32, #tpu.memory_space<hbm>>
      %dma_wait3A_95 = tpu.memref_squeeze %dma_wait3A_94 : memref<1x368xi32, #tpu.memory_space<hbm>> -> memref<368xi32, #tpu.memory_space<hbm>>
      %dma_wait3A_96 = arith.constant 256 : i32
      %dma_wait3A_97 = tpu.memref_slice %dma_wait3A_95[%dma_wait3A_96] : memref<368xi32, #tpu.memory_space<hbm>> -> memref<112xi32, #tpu.memory_space<hbm>>
      tpu.wait_dma2 semaphore(%run_scoped3A_62 : memref<!tpu.dma_semaphore, #tpu.memory_space<semaphore_mem>>) src(%dma_wait3A_97 : memref<112xi32, #tpu.memory_space<hbm>>) dst(%arg8 : memref<112xi32, #tpu.memory_space<vmem>>)
      tpu.yield
    }) : () -> ()
    %run_scoped3A_28 = arith.constant 0 : i32
    "tpu.region"() ({
      %run_scoped3A_62 = tpu.sem_alloc : memref<!tpu.dma_semaphore, #tpu.memory_space<semaphore_mem>>
      %dma_start3A_63 = arith.constant 0 : i32
      %dma_start3A_64 = arith.constant 0 : i32
      %dma_start3A_65 = tpu.memref_slice %arg4[%add3A, %dma_start3A_63, %dma_start3A_64] : memref<32x28x368xi32, #tpu.memory_space<hbm>> -> memref<1x28x368xi32, #tpu.memory_space<hbm>>
      %dma_start3A_66 = tpu.memref_squeeze %dma_start3A_65 : memref<1x28x368xi32, #tpu.memory_space<hbm>> -> memref<28x368xi32, #tpu.memory_space<hbm>>
      %dma_start3A_67 = arith.constant 0 : i32
      %dma_start3A_68 = tpu.memref_slice %dma_start3A_66[%run_scoped3A_28, %dma_start3A_67] : memref<28x368xi32, #tpu.memory_space<hbm>> -> memref<1x368xi32, #tpu.memory_space<hbm>>
      %dma_start3A_69 = tpu.memref_squeeze %dma_start3A_68 : memref<1x368xi32, #tpu.memory_space<hbm>> -> memref<368xi32, #tpu.memory_space<hbm>>
      %dma_start3A_70 = arith.constant 256 : i32
      %dma_start3A_71 = tpu.memref_slice %dma_start3A_69[%dma_start3A_70] : memref<368xi32, #tpu.memory_space<hbm>> -> memref<112xi32, #tpu.memory_space<hbm>>
      %dma_start3A_72 = arith.constant 0 : i32
      %dma_start3A_73 = arith.constant 0 : i32
      %dma_start3A_74 = tpu.memref_slice %arg4[%add3A, %dma_start3A_72, %dma_start3A_73] : memref<32x28x368xi32, #tpu.memory_space<hbm>> -> memref<1x28x368xi32, #tpu.memory_space<hbm>>
      %dma_start3A_75 = tpu.memref_squeeze %dma_start3A_74 : memref<1x28x368xi32, #tpu.memory_space<hbm>> -> memref<28x368xi32, #tpu.memory_space<hbm>>
      %dma_start3A_76 = arith.constant 0 : i32
      %dma_start3A_77 = tpu.memref_slice %dma_start3A_75[%run_scoped3A_28, %dma_start3A_76] : memref<28x368xi32, #tpu.memory_space<hbm>> -> memref<1x368xi32, #tpu.memory_space<hbm>>
      %dma_start3A_78 = tpu.memref_squeeze %dma_start3A_77 : memref<1x368xi32, #tpu.memory_space<hbm>> -> memref<368xi32, #tpu.memory_space<hbm>>
      %dma_start3A_79 = arith.constant 256 : i32
      %dma_start3A_80 = tpu.memref_slice %dma_start3A_78[%dma_start3A_79] : memref<368xi32, #tpu.memory_space<hbm>> -> memref<112xi32, #tpu.memory_space<hbm>>
      tpu.enqueue_dma source(%dma_start3A_80 : memref<112xi32, #tpu.memory_space<hbm>>) target(%arg9 : memref<112xi32, #tpu.memory_space<vmem>>) target_semaphore(%run_scoped3A_62 : memref<!tpu.dma_semaphore, #tpu.memory_space<semaphore_mem>>)
      %dma_wait3A = arith.constant 0 : i32
      %dma_wait3A_81 = arith.constant 0 : i32
      %dma_wait3A_82 = tpu.memref_slice %arg4[%add3A, %dma_wait3A, %dma_wait3A_81] : memref<32x28x368xi32, #tpu.memory_space<hbm>> -> memref<1x28x368xi32, #tpu.memory_space<hbm>>
      %dma_wait3A_83 = tpu.memref_squeeze %dma_wait3A_82 : memref<1x28x368xi32, #tpu.memory_space<hbm>> -> memref<28x368xi32, #tpu.memory_space<hbm>>
      %dma_wait3A_84 = arith.constant 0 : i32
      %dma_wait3A_85 = tpu.memref_slice %dma_wait3A_83[%run_scoped3A_28, %dma_wait3A_84] : memref<28x368xi32, #tpu.memory_space<hbm>> -> memref<1x368xi32, #tpu.memory_space<hbm>>
      %dma_wait3A_86 = tpu.memref_squeeze %dma_wait3A_85 : memref<1x368xi32, #tpu.memory_space<hbm>> -> memref<368xi32, #tpu.memory_space<hbm>>
      %dma_wait3A_87 = arith.constant 256 : i32
      %dma_wait3A_88 = tpu.memref_slice %dma_wait3A_86[%dma_wait3A_87] : memref<368xi32, #tpu.memory_space<hbm>> -> memref<112xi32, #tpu.memory_space<hbm>>
      %dma_wait3A_89 = arith.constant 0 : i32
      %dma_wait3A_90 = arith.constant 0 : i32
      %dma_wait3A_91 = tpu.memref_slice %arg4[%add3A, %dma_wait3A_89, %dma_wait3A_90] : memref<32x28x368xi32, #tpu.memory_space<hbm>> -> memref<1x28x368xi32, #tpu.memory_space<hbm>>
      %dma_wait3A_92 = tpu.memref_squeeze %dma_wait3A_91 : memref<1x28x368xi32, #tpu.memory_space<hbm>> -> memref<28x368xi32, #tpu.memory_space<hbm>>
      %dma_wait3A_93 = arith.constant 0 : i32
      %dma_wait3A_94 = tpu.memref_slice %dma_wait3A_92[%run_scoped3A_28, %dma_wait3A_93] : memref<28x368xi32, #tpu.memory_space<hbm>> -> memref<1x368xi32, #tpu.memory_space<hbm>>
      %dma_wait3A_95 = tpu.memref_squeeze %dma_wait3A_94 : memref<1x368xi32, #tpu.memory_space<hbm>> -> memref<368xi32, #tpu.memory_space<hbm>>
      %dma_wait3A_96 = arith.constant 256 : i32
      %dma_wait3A_97 = tpu.memref_slice %dma_wait3A_95[%dma_wait3A_96] : memref<368xi32, #tpu.memory_space<hbm>> -> memref<112xi32, #tpu.memory_space<hbm>>
      tpu.wait_dma2 semaphore(%run_scoped3A_62 : memref<!tpu.dma_semaphore, #tpu.memory_space<semaphore_mem>>) src(%dma_wait3A_97 : memref<112xi32, #tpu.memory_space<hbm>>) dst(%arg9 : memref<112xi32, #tpu.memory_space<vmem>>)
      tpu.yield
    }) : () -> ()
    %dma_start3A = arith.constant 0 : i32
    %dma_start3A_29 = arith.constant 0 : i32
    %dma_start3A_30 = tpu.memref_slice %arg2[%dma_start3A, %dma_start3A_29] : memref<10000x128xf32, #tpu.memory_space<hbm>> -> memref<10000x128xf32, #tpu.memory_space<hbm>>
    tpu.enqueue_indirect_dma source(%dma_start3A_30 : memref<10000x128xf32, #tpu.memory_space<hbm>>) target(%arg10 : memref<256x128xf32, #tpu.memory_space<vmem>>) offsets(%arg6 : memref<256xi32, #tpu.memory_space<vmem>>) semaphore(%arg13 : memref<!tpu.dma_semaphore, #tpu.memory_space<semaphore_mem>>)
    %dma_start3A_31 = arith.constant 0 : i32
    %dma_start3A_32 = arith.constant 0 : i32
    %dma_start3A_33 = tpu.memref_slice %arg2[%dma_start3A_31, %dma_start3A_32] : memref<10000x128xf32, #tpu.memory_space<hbm>> -> memref<10000x128xf32, #tpu.memory_space<hbm>>
    tpu.enqueue_indirect_dma source(%dma_start3A_33 : memref<10000x128xf32, #tpu.memory_space<hbm>>) target(%arg11 : memref<112x128xf32, #tpu.memory_space<vmem>>) offsets(%arg8 : memref<112xi32, #tpu.memory_space<vmem>>) semaphore(%arg14 : memref<!tpu.dma_semaphore, #tpu.memory_space<semaphore_mem>>)
    %scan3A_34 = arith.constant 0 : i32
    %scan3A_35 = arith.constant 0 : i32
    %scan3A_36 = arith.constant 28 : i32
    %scan3A_37 = arith.addi %scan3A_35, %scan3A_36 : i32
    %scan3A_38 = arith.constant 1 : i32
    scf.for %scan3A_62 = %scan3A_35 to %scan3A_37 step %scan3A_38  : i32 {
      %dma_wait3A = arith.constant 0 : i32
      %dma_wait3A_63 = arith.constant 0 : i32
      %dma_wait3A_64 = tpu.memref_slice %arg2[%dma_wait3A, %dma_wait3A_63] : memref<10000x128xf32, #tpu.memory_space<hbm>> -> memref<10000x128xf32, #tpu.memory_space<hbm>>
      tpu.wait_indirect_dma semaphore(%arg13 : memref<!tpu.dma_semaphore, #tpu.memory_space<semaphore_mem>>) src(%dma_wait3A_64 : memref<10000x128xf32, #tpu.memory_space<hbm>>) dst(%arg10 : memref<256x128xf32, #tpu.memory_space<vmem>>)
      %add3A_65 = arith.constant 1 : i32
      %add3A_66 = arith.addi %scan3A_62, %add3A_65 : i32
      %lt3A = arith.constant 28 : i32
      %lt3A_67 = arith.cmpi slt, %add3A_66, %lt3A : i32
      %convert_element_type3A = arith.extui %lt3A_67 : i1 to i32
      %cond3A = arith.constant 0 : i32
      %cond3A_68 = arith.cmpi ne, %convert_element_type3A, %cond3A : i32
      scf.if %cond3A_68 {
        %add3A_93 = arith.constant 1 : i32
        %add3A_94 = arith.addi %scan3A_62, %add3A_93 : i32
        %dma_start3A_95 = arith.constant 0 : i32
        %dma_start3A_96 = arith.constant 0 : i32
        %dma_start3A_97 = tpu.memref_slice %arg3[%add3A, %dma_start3A_95, %dma_start3A_96] : memref<32x28x368xi32, #tpu.memory_space<hbm>> -> memref<1x28x368xi32, #tpu.memory_space<hbm>>
        %dma_start3A_98 = tpu.memref_squeeze %dma_start3A_97 : memref<1x28x368xi32, #tpu.memory_space<hbm>> -> memref<28x368xi32, #tpu.memory_space<hbm>>
        %dma_start3A_99 = arith.constant 0 : i32
        %dma_start3A_100 = tpu.memref_slice %dma_start3A_98[%add3A_94, %dma_start3A_99] : memref<28x368xi32, #tpu.memory_space<hbm>> -> memref<1x368xi32, #tpu.memory_space<hbm>>
        %dma_start3A_101 = tpu.memref_squeeze %dma_start3A_100 : memref<1x368xi32, #tpu.memory_space<hbm>> -> memref<368xi32, #tpu.memory_space<hbm>>
        %dma_start3A_102 = arith.constant 0 : i32
        %dma_start3A_103 = tpu.memref_slice %dma_start3A_101[%dma_start3A_102] : memref<368xi32, #tpu.memory_space<hbm>> -> memref<256xi32, #tpu.memory_space<hbm>>
        %dma_start3A_104 = arith.constant 0 : i32
        %dma_start3A_105 = arith.constant 0 : i32
        %dma_start3A_106 = tpu.memref_slice %arg3[%add3A, %dma_start3A_104, %dma_start3A_105] : memref<32x28x368xi32, #tpu.memory_space<hbm>> -> memref<1x28x368xi32, #tpu.memory_space<hbm>>
        %dma_start3A_107 = tpu.memref_squeeze %dma_start3A_106 : memref<1x28x368xi32, #tpu.memory_space<hbm>> -> memref<28x368xi32, #tpu.memory_space<hbm>>
        %dma_start3A_108 = arith.constant 0 : i32
        %dma_start3A_109 = tpu.memref_slice %dma_start3A_107[%add3A_94, %dma_start3A_108] : memref<28x368xi32, #tpu.memory_space<hbm>> -> memref<1x368xi32, #tpu.memory_space<hbm>>
        %dma_start3A_110 = tpu.memref_squeeze %dma_start3A_109 : memref<1x368xi32, #tpu.memory_space<hbm>> -> memref<368xi32, #tpu.memory_space<hbm>>
        %dma_start3A_111 = arith.constant 0 : i32
        %dma_start3A_112 = tpu.memref_slice %dma_start3A_110[%dma_start3A_111] : memref<368xi32, #tpu.memory_space<hbm>> -> memref<256xi32, #tpu.memory_space<hbm>>
        tpu.enqueue_dma source(%dma_start3A_112 : memref<256xi32, #tpu.memory_space<hbm>>) target(%arg6 : memref<256xi32, #tpu.memory_space<vmem>>) target_semaphore(%arg15 : memref<!tpu.dma_semaphore, #tpu.memory_space<semaphore_mem>>)
      } else {
      }
      "tpu.region"() ({
        %run_scoped3A_93 = tpu.sem_alloc : memref<!tpu.dma_semaphore, #tpu.memory_space<semaphore_mem>>
        %dma_start3A_94 = arith.constant 0 : i32
        %dma_start3A_95 = arith.constant 0 : i32
        %dma_start3A_96 = tpu.memref_slice %arg12[%dma_start3A_94, %dma_start3A_95] : memref<10112x128xf32, #tpu.memory_space<vmem_shared>> -> memref<10112x128xf32, #tpu.memory_space<vmem_shared>>
        tpu.enqueue_indirect_dma source(%arg10 : memref<256x128xf32, #tpu.memory_space<vmem>>) target(%dma_start3A_96 : memref<10112x128xf32, #tpu.memory_space<vmem_shared>>) offsets(%arg7 : memref<256xi32, #tpu.memory_space<vmem>>) semaphore(%run_scoped3A_93 : memref<!tpu.dma_semaphore, #tpu.memory_space<semaphore_mem>>) {add = true}
        %dma_wait3A_97 = arith.constant 0 : i32
        %dma_wait3A_98 = arith.constant 0 : i32
        %dma_wait3A_99 = tpu.memref_slice %arg12[%dma_wait3A_97, %dma_wait3A_98] : memref<10112x128xf32, #tpu.memory_space<vmem_shared>> -> memref<10112x128xf32, #tpu.memory_space<vmem_shared>>
        tpu.wait_indirect_dma semaphore(%run_scoped3A_93 : memref<!tpu.dma_semaphore, #tpu.memory_space<semaphore_mem>>) src(%arg10 : memref<256x128xf32, #tpu.memory_space<vmem>>) dst(%dma_wait3A_99 : memref<10112x128xf32, #tpu.memory_space<vmem_shared>>)
        tpu.yield
      }) : () -> ()
      %add3A_69 = arith.constant 1 : i32
      %add3A_70 = arith.addi %scan3A_62, %add3A_69 : i32
      %lt3A_71 = arith.constant 28 : i32
      %lt3A_72 = arith.cmpi slt, %add3A_70, %lt3A_71 : i32
      %convert_element_type3A_73 = arith.extui %lt3A_72 : i1 to i32
      %cond3A_74 = arith.constant 0 : i32
      %cond3A_75 = arith.cmpi ne, %convert_element_type3A_73, %cond3A_74 : i32
      scf.if %cond3A_75 {
        %add3A_93 = arith.constant 1 : i32
        %add3A_94 = arith.addi %scan3A_62, %add3A_93 : i32
        %dma_start3A_95 = arith.constant 0 : i32
        %dma_start3A_96 = arith.constant 0 : i32
        %dma_start3A_97 = tpu.memref_slice %arg4[%add3A, %dma_start3A_95, %dma_start3A_96] : memref<32x28x368xi32, #tpu.memory_space<hbm>> -> memref<1x28x368xi32, #tpu.memory_space<hbm>>
        %dma_start3A_98 = tpu.memref_squeeze %dma_start3A_97 : memref<1x28x368xi32, #tpu.memory_space<hbm>> -> memref<28x368xi32, #tpu.memory_space<hbm>>
        %dma_start3A_99 = arith.constant 0 : i32
        %dma_start3A_100 = tpu.memref_slice %dma_start3A_98[%add3A_94, %dma_start3A_99] : memref<28x368xi32, #tpu.memory_space<hbm>> -> memref<1x368xi32, #tpu.memory_space<hbm>>
        %dma_start3A_101 = tpu.memref_squeeze %dma_start3A_100 : memref<1x368xi32, #tpu.memory_space<hbm>> -> memref<368xi32, #tpu.memory_space<hbm>>
        %dma_start3A_102 = arith.constant 0 : i32
        %dma_start3A_103 = tpu.memref_slice %dma_start3A_101[%dma_start3A_102] : memref<368xi32, #tpu.memory_space<hbm>> -> memref<256xi32, #tpu.memory_space<hbm>>
        %dma_start3A_104 = arith.constant 0 : i32
        %dma_start3A_105 = arith.constant 0 : i32
        %dma_start3A_106 = tpu.memref_slice %arg4[%add3A, %dma_start3A_104, %dma_start3A_105] : memref<32x28x368xi32, #tpu.memory_space<hbm>> -> memref<1x28x368xi32, #tpu.memory_space<hbm>>
        %dma_start3A_107 = tpu.memref_squeeze %dma_start3A_106 : memref<1x28x368xi32, #tpu.memory_space<hbm>> -> memref<28x368xi32, #tpu.memory_space<hbm>>
        %dma_start3A_108 = arith.constant 0 : i32
        %dma_start3A_109 = tpu.memref_slice %dma_start3A_107[%add3A_94, %dma_start3A_108] : memref<28x368xi32, #tpu.memory_space<hbm>> -> memref<1x368xi32, #tpu.memory_space<hbm>>
        %dma_start3A_110 = tpu.memref_squeeze %dma_start3A_109 : memref<1x368xi32, #tpu.memory_space<hbm>> -> memref<368xi32, #tpu.memory_space<hbm>>
        %dma_start3A_111 = arith.constant 0 : i32
        %dma_start3A_112 = tpu.memref_slice %dma_start3A_110[%dma_start3A_111] : memref<368xi32, #tpu.memory_space<hbm>> -> memref<256xi32, #tpu.memory_space<hbm>>
        tpu.enqueue_dma source(%dma_start3A_112 : memref<256xi32, #tpu.memory_space<hbm>>) target(%arg7 : memref<256xi32, #tpu.memory_space<vmem>>) target_semaphore(%arg17 : memref<!tpu.dma_semaphore, #tpu.memory_space<semaphore_mem>>)
        %add3A_113 = arith.constant 1 : i32
        %add3A_114 = arith.addi %scan3A_62, %add3A_113 : i32
        %dma_wait3A_115 = arith.constant 0 : i32
        %dma_wait3A_116 = arith.constant 0 : i32
        %dma_wait3A_117 = tpu.memref_slice %arg3[%add3A, %dma_wait3A_115, %dma_wait3A_116] : memref<32x28x368xi32, #tpu.memory_space<hbm>> -> memref<1x28x368xi32, #tpu.memory_space<hbm>>
        %dma_wait3A_118 = tpu.memref_squeeze %dma_wait3A_117 : memref<1x28x368xi32, #tpu.memory_space<hbm>> -> memref<28x368xi32, #tpu.memory_space<hbm>>
        %dma_wait3A_119 = arith.constant 0 : i32
        %dma_wait3A_120 = tpu.memref_slice %dma_wait3A_118[%add3A_114, %dma_wait3A_119] : memref<28x368xi32, #tpu.memory_space<hbm>> -> memref<1x368xi32, #tpu.memory_space<hbm>>
        %dma_wait3A_121 = tpu.memref_squeeze %dma_wait3A_120 : memref<1x368xi32, #tpu.memory_space<hbm>> -> memref<368xi32, #tpu.memory_space<hbm>>
        %dma_wait3A_122 = arith.constant 0 : i32
        %dma_wait3A_123 = tpu.memref_slice %dma_wait3A_121[%dma_wait3A_122] : memref<368xi32, #tpu.memory_space<hbm>> -> memref<256xi32, #tpu.memory_space<hbm>>
        %dma_wait3A_124 = arith.constant 0 : i32
        %dma_wait3A_125 = arith.constant 0 : i32
        %dma_wait3A_126 = tpu.memref_slice %arg3[%add3A, %dma_wait3A_124, %dma_wait3A_125] : memref<32x28x368xi32, #tpu.memory_space<hbm>> -> memref<1x28x368xi32, #tpu.memory_space<hbm>>
        %dma_wait3A_127 = tpu.memref_squeeze %dma_wait3A_126 : memref<1x28x368xi32, #tpu.memory_space<hbm>> -> memref<28x368xi32, #tpu.memory_space<hbm>>
        %dma_wait3A_128 = arith.constant 0 : i32
        %dma_wait3A_129 = tpu.memref_slice %dma_wait3A_127[%add3A_114, %dma_wait3A_128] : memref<28x368xi32, #tpu.memory_space<hbm>> -> memref<1x368xi32, #tpu.memory_space<hbm>>
        %dma_wait3A_130 = tpu.memref_squeeze %dma_wait3A_129 : memref<1x368xi32, #tpu.memory_space<hbm>> -> memref<368xi32, #tpu.memory_space<hbm>>
        %dma_wait3A_131 = arith.constant 0 : i32
        %dma_wait3A_132 = tpu.memref_slice %dma_wait3A_130[%dma_wait3A_131] : memref<368xi32, #tpu.memory_space<hbm>> -> memref<256xi32, #tpu.memory_space<hbm>>
        tpu.wait_dma2 semaphore(%arg15 : memref<!tpu.dma_semaphore, #tpu.memory_space<semaphore_mem>>) src(%dma_wait3A_132 : memref<256xi32, #tpu.memory_space<hbm>>) dst(%arg6 : memref<256xi32, #tpu.memory_space<vmem>>)
        %dma_start3A_133 = arith.constant 0 : i32
        %dma_start3A_134 = arith.constant 0 : i32
        %dma_start3A_135 = tpu.memref_slice %arg2[%dma_start3A_133, %dma_start3A_134] : memref<10000x128xf32, #tpu.memory_space<hbm>> -> memref<10000x128xf32, #tpu.memory_space<hbm>>
        tpu.enqueue_indirect_dma source(%dma_start3A_135 : memref<10000x128xf32, #tpu.memory_space<hbm>>) target(%arg10 : memref<256x128xf32, #tpu.memory_space<vmem>>) offsets(%arg6 : memref<256xi32, #tpu.memory_space<vmem>>) semaphore(%arg13 : memref<!tpu.dma_semaphore, #tpu.memory_space<semaphore_mem>>)
        %add3A_136 = arith.constant 1 : i32
        %add3A_137 = arith.addi %scan3A_62, %add3A_136 : i32
        %dma_wait3A_138 = arith.constant 0 : i32
        %dma_wait3A_139 = arith.constant 0 : i32
        %dma_wait3A_140 = tpu.memref_slice %arg4[%add3A, %dma_wait3A_138, %dma_wait3A_139] : memref<32x28x368xi32, #tpu.memory_space<hbm>> -> memref<1x28x368xi32, #tpu.memory_space<hbm>>
        %dma_wait3A_141 = tpu.memref_squeeze %dma_wait3A_140 : memref<1x28x368xi32, #tpu.memory_space<hbm>> -> memref<28x368xi32, #tpu.memory_space<hbm>>
        %dma_wait3A_142 = arith.constant 0 : i32
        %dma_wait3A_143 = tpu.memref_slice %dma_wait3A_141[%add3A_137, %dma_wait3A_142] : memref<28x368xi32, #tpu.memory_space<hbm>> -> memref<1x368xi32, #tpu.memory_space<hbm>>
        %dma_wait3A_144 = tpu.memref_squeeze %dma_wait3A_143 : memref<1x368xi32, #tpu.memory_space<hbm>> -> memref<368xi32, #tpu.memory_space<hbm>>
        %dma_wait3A_145 = arith.constant 0 : i32
        %dma_wait3A_146 = tpu.memref_slice %dma_wait3A_144[%dma_wait3A_145] : memref<368xi32, #tpu.memory_space<hbm>> -> memref<256xi32, #tpu.memory_space<hbm>>
        %dma_wait3A_147 = arith.constant 0 : i32
        %dma_wait3A_148 = arith.constant 0 : i32
        %dma_wait3A_149 = tpu.memref_slice %arg4[%add3A, %dma_wait3A_147, %dma_wait3A_148] : memref<32x28x368xi32, #tpu.memory_space<hbm>> -> memref<1x28x368xi32, #tpu.memory_space<hbm>>
        %dma_wait3A_150 = tpu.memref_squeeze %dma_wait3A_149 : memref<1x28x368xi32, #tpu.memory_space<hbm>> -> memref<28x368xi32, #tpu.memory_space<hbm>>
        %dma_wait3A_151 = arith.constant 0 : i32
        %dma_wait3A_152 = tpu.memref_slice %dma_wait3A_150[%add3A_137, %dma_wait3A_151] : memref<28x368xi32, #tpu.memory_space<hbm>> -> memref<1x368xi32, #tpu.memory_space<hbm>>
        %dma_wait3A_153 = tpu.memref_squeeze %dma_wait3A_152 : memref<1x368xi32, #tpu.memory_space<hbm>> -> memref<368xi32, #tpu.memory_space<hbm>>
        %dma_wait3A_154 = arith.constant 0 : i32
        %dma_wait3A_155 = tpu.memref_slice %dma_wait3A_153[%dma_wait3A_154] : memref<368xi32, #tpu.memory_space<hbm>> -> memref<256xi32, #tpu.memory_space<hbm>>
        tpu.wait_dma2 semaphore(%arg17 : memref<!tpu.dma_semaphore, #tpu.memory_space<semaphore_mem>>) src(%dma_wait3A_155 : memref<256xi32, #tpu.memory_space<hbm>>) dst(%arg7 : memref<256xi32, #tpu.memory_space<vmem>>)
      } else {
      }
      %dma_wait3A_76 = arith.constant 0 : i32
      %dma_wait3A_77 = arith.constant 0 : i32
      %dma_wait3A_78 = tpu.memref_slice %arg2[%dma_wait3A_76, %dma_wait3A_77] : memref<10000x128xf32, #tpu.memory_space<hbm>> -> memref<10000x128xf32, #tpu.memory_space<hbm>>
      tpu.wait_indirect_dma semaphore(%arg14 : memref<!tpu.dma_semaphore, #tpu.memory_space<semaphore_mem>>) src(%dma_wait3A_78 : memref<10000x128xf32, #tpu.memory_space<hbm>>) dst(%arg11 : memref<112x128xf32, #tpu.memory_space<vmem>>)
      %add3A_79 = arith.constant 1 : i32
      %add3A_80 = arith.addi %scan3A_62, %add3A_79 : i32
      %lt3A_81 = arith.constant 28 : i32
      %lt3A_82 = arith.cmpi slt, %add3A_80, %lt3A_81 : i32
      %convert_element_type3A_83 = arith.extui %lt3A_82 : i1 to i32
      %cond3A_84 = arith.constant 0 : i32
      %cond3A_85 = arith.cmpi ne, %convert_element_type3A_83, %cond3A_84 : i32
      scf.if %cond3A_85 {
        %add3A_93 = arith.constant 1 : i32
        %add3A_94 = arith.addi %scan3A_62, %add3A_93 : i32
        %dma_start3A_95 = arith.constant 0 : i32
        %dma_start3A_96 = arith.constant 0 : i32
        %dma_start3A_97 = tpu.memref_slice %arg3[%add3A, %dma_start3A_95, %dma_start3A_96] : memref<32x28x368xi32, #tpu.memory_space<hbm>> -> memref<1x28x368xi32, #tpu.memory_space<hbm>>
        %dma_start3A_98 = tpu.memref_squeeze %dma_start3A_97 : memref<1x28x368xi32, #tpu.memory_space<hbm>> -> memref<28x368xi32, #tpu.memory_space<hbm>>
        %dma_start3A_99 = arith.constant 0 : i32
        %dma_start3A_100 = tpu.memref_slice %dma_start3A_98[%add3A_94, %dma_start3A_99] : memref<28x368xi32, #tpu.memory_space<hbm>> -> memref<1x368xi32, #tpu.memory_space<hbm>>
        %dma_start3A_101 = tpu.memref_squeeze %dma_start3A_100 : memref<1x368xi32, #tpu.memory_space<hbm>> -> memref<368xi32, #tpu.memory_space<hbm>>
        %dma_start3A_102 = arith.constant 256 : i32
        %dma_start3A_103 = tpu.memref_slice %dma_start3A_101[%dma_start3A_102] : memref<368xi32, #tpu.memory_space<hbm>> -> memref<112xi32, #tpu.memory_space<hbm>>
        %dma_start3A_104 = arith.constant 0 : i32
        %dma_start3A_105 = arith.constant 0 : i32
        %dma_start3A_106 = tpu.memref_slice %arg3[%add3A, %dma_start3A_104, %dma_start3A_105] : memref<32x28x368xi32, #tpu.memory_space<hbm>> -> memref<1x28x368xi32, #tpu.memory_space<hbm>>
        %dma_start3A_107 = tpu.memref_squeeze %dma_start3A_106 : memref<1x28x368xi32, #tpu.memory_space<hbm>> -> memref<28x368xi32, #tpu.memory_space<hbm>>
        %dma_start3A_108 = arith.constant 0 : i32
        %dma_start3A_109 = tpu.memref_slice %dma_start3A_107[%add3A_94, %dma_start3A_108] : memref<28x368xi32, #tpu.memory_space<hbm>> -> memref<1x368xi32, #tpu.memory_space<hbm>>
        %dma_start3A_110 = tpu.memref_squeeze %dma_start3A_109 : memref<1x368xi32, #tpu.memory_space<hbm>> -> memref<368xi32, #tpu.memory_space<hbm>>
        %dma_start3A_111 = arith.constant 256 : i32
        %dma_start3A_112 = tpu.memref_slice %dma_start3A_110[%dma_start3A_111] : memref<368xi32, #tpu.memory_space<hbm>> -> memref<112xi32, #tpu.memory_space<hbm>>
        tpu.enqueue_dma source(%dma_start3A_112 : memref<112xi32, #tpu.memory_space<hbm>>) target(%arg8 : memref<112xi32, #tpu.memory_space<vmem>>) target_semaphore(%arg16 : memref<!tpu.dma_semaphore, #tpu.memory_space<semaphore_mem>>)
      } else {
      }
      "tpu.region"() ({
        %run_scoped3A_93 = tpu.sem_alloc : memref<!tpu.dma_semaphore, #tpu.memory_space<semaphore_mem>>
        %dma_start3A_94 = arith.constant 0 : i32
        %dma_start3A_95 = arith.constant 0 : i32
        %dma_start3A_96 = tpu.memref_slice %arg12[%dma_start3A_94, %dma_start3A_95] : memref<10112x128xf32, #tpu.memory_space<vmem_shared>> -> memref<10112x128xf32, #tpu.memory_space<vmem_shared>>
        tpu.enqueue_indirect_dma source(%arg11 : memref<112x128xf32, #tpu.memory_space<vmem>>) target(%dma_start3A_96 : memref<10112x128xf32, #tpu.memory_space<vmem_shared>>) offsets(%arg9 : memref<112xi32, #tpu.memory_space<vmem>>) semaphore(%run_scoped3A_93 : memref<!tpu.dma_semaphore, #tpu.memory_space<semaphore_mem>>) {add = true}
        %dma_wait3A_97 = arith.constant 0 : i32
        %dma_wait3A_98 = arith.constant 0 : i32
        %dma_wait3A_99 = tpu.memref_slice %arg12[%dma_wait3A_97, %dma_wait3A_98] : memref<10112x128xf32, #tpu.memory_space<vmem_shared>> -> memref<10112x128xf32, #tpu.memory_space<vmem_shared>>
        tpu.wait_indirect_dma semaphore(%run_scoped3A_93 : memref<!tpu.dma_semaphore, #tpu.memory_space<semaphore_mem>>) src(%arg11 : memref<112x128xf32, #tpu.memory_space<vmem>>) dst(%dma_wait3A_99 : memref<10112x128xf32, #tpu.memory_space<vmem_shared>>)
        tpu.yield
      }) : () -> ()
      %add3A_86 = arith.constant 1 : i32
      %add3A_87 = arith.addi %scan3A_62, %add3A_86 : i32
      %lt3A_88 = arith.constant 28 : i32
      %lt3A_89 = arith.cmpi slt, %add3A_87, %lt3A_88 : i32
      %convert_element_type3A_90 = arith.extui %lt3A_89 : i1 to i32
      %cond3A_91 = arith.constant 0 : i32
      %cond3A_92 = arith.cmpi ne, %convert_element_type3A_90, %cond3A_91 : i32
      scf.if %cond3A_92 {
        %add3A_93 = arith.constant 1 : i32
        %add3A_94 = arith.addi %scan3A_62, %add3A_93 : i32
        %dma_start3A_95 = arith.constant 0 : i32
        %dma_start3A_96 = arith.constant 0 : i32
        %dma_start3A_97 = tpu.memref_slice %arg4[%add3A, %dma_start3A_95, %dma_start3A_96] : memref<32x28x368xi32, #tpu.memory_space<hbm>> -> memref<1x28x368xi32, #tpu.memory_space<hbm>>
        %dma_start3A_98 = tpu.memref_squeeze %dma_start3A_97 : memref<1x28x368xi32, #tpu.memory_space<hbm>> -> memref<28x368xi32, #tpu.memory_space<hbm>>
        %dma_start3A_99 = arith.constant 0 : i32
        %dma_start3A_100 = tpu.memref_slice %dma_start3A_98[%add3A_94, %dma_start3A_99] : memref<28x368xi32, #tpu.memory_space<hbm>> -> memref<1x368xi32, #tpu.memory_space<hbm>>
        %dma_start3A_101 = tpu.memref_squeeze %dma_start3A_100 : memref<1x368xi32, #tpu.memory_space<hbm>> -> memref<368xi32, #tpu.memory_space<hbm>>
        %dma_start3A_102 = arith.constant 256 : i32
        %dma_start3A_103 = tpu.memref_slice %dma_start3A_101[%dma_start3A_102] : memref<368xi32, #tpu.memory_space<hbm>> -> memref<112xi32, #tpu.memory_space<hbm>>
        %dma_start3A_104 = arith.constant 0 : i32
        %dma_start3A_105 = arith.constant 0 : i32
        %dma_start3A_106 = tpu.memref_slice %arg4[%add3A, %dma_start3A_104, %dma_start3A_105] : memref<32x28x368xi32, #tpu.memory_space<hbm>> -> memref<1x28x368xi32, #tpu.memory_space<hbm>>
        %dma_start3A_107 = tpu.memref_squeeze %dma_start3A_106 : memref<1x28x368xi32, #tpu.memory_space<hbm>> -> memref<28x368xi32, #tpu.memory_space<hbm>>
        %dma_start3A_108 = arith.constant 0 : i32
        %dma_start3A_109 = tpu.memref_slice %dma_start3A_107[%add3A_94, %dma_start3A_108] : memref<28x368xi32, #tpu.memory_space<hbm>> -> memref<1x368xi32, #tpu.memory_space<hbm>>
        %dma_start3A_110 = tpu.memref_squeeze %dma_start3A_109 : memref<1x368xi32, #tpu.memory_space<hbm>> -> memref<368xi32, #tpu.memory_space<hbm>>
        %dma_start3A_111 = arith.constant 256 : i32
        %dma_start3A_112 = tpu.memref_slice %dma_start3A_110[%dma_start3A_111] : memref<368xi32, #tpu.memory_space<hbm>> -> memref<112xi32, #tpu.memory_space<hbm>>
        tpu.enqueue_dma source(%dma_start3A_112 : memref<112xi32, #tpu.memory_space<hbm>>) target(%arg9 : memref<112xi32, #tpu.memory_space<vmem>>) target_semaphore(%arg18 : memref<!tpu.dma_semaphore, #tpu.memory_space<semaphore_mem>>)
        %add3A_113 = arith.constant 1 : i32
        %add3A_114 = arith.addi %scan3A_62, %add3A_113 : i32
        %dma_wait3A_115 = arith.constant 0 : i32
        %dma_wait3A_116 = arith.constant 0 : i32
        %dma_wait3A_117 = tpu.memref_slice %arg3[%add3A, %dma_wait3A_115, %dma_wait3A_116] : memref<32x28x368xi32, #tpu.memory_space<hbm>> -> memref<1x28x368xi32, #tpu.memory_space<hbm>>
        %dma_wait3A_118 = tpu.memref_squeeze %dma_wait3A_117 : memref<1x28x368xi32, #tpu.memory_space<hbm>> -> memref<28x368xi32, #tpu.memory_space<hbm>>
        %dma_wait3A_119 = arith.constant 0 : i32
        %dma_wait3A_120 = tpu.memref_slice %dma_wait3A_118[%add3A_114, %dma_wait3A_119] : memref<28x368xi32, #tpu.memory_space<hbm>> -> memref<1x368xi32, #tpu.memory_space<hbm>>
        %dma_wait3A_121 = tpu.memref_squeeze %dma_wait3A_120 : memref<1x368xi32, #tpu.memory_space<hbm>> -> memref<368xi32, #tpu.memory_space<hbm>>
        %dma_wait3A_122 = arith.constant 256 : i32
        %dma_wait3A_123 = tpu.memref_slice %dma_wait3A_121[%dma_wait3A_122] : memref<368xi32, #tpu.memory_space<hbm>> -> memref<112xi32, #tpu.memory_space<hbm>>
        %dma_wait3A_124 = arith.constant 0 : i32
        %dma_wait3A_125 = arith.constant 0 : i32
        %dma_wait3A_126 = tpu.memref_slice %arg3[%add3A, %dma_wait3A_124, %dma_wait3A_125] : memref<32x28x368xi32, #tpu.memory_space<hbm>> -> memref<1x28x368xi32, #tpu.memory_space<hbm>>
        %dma_wait3A_127 = tpu.memref_squeeze %dma_wait3A_126 : memref<1x28x368xi32, #tpu.memory_space<hbm>> -> memref<28x368xi32, #tpu.memory_space<hbm>>
        %dma_wait3A_128 = arith.constant 0 : i32
        %dma_wait3A_129 = tpu.memref_slice %dma_wait3A_127[%add3A_114, %dma_wait3A_128] : memref<28x368xi32, #tpu.memory_space<hbm>> -> memref<1x368xi32, #tpu.memory_space<hbm>>
        %dma_wait3A_130 = tpu.memref_squeeze %dma_wait3A_129 : memref<1x368xi32, #tpu.memory_space<hbm>> -> memref<368xi32, #tpu.memory_space<hbm>>
        %dma_wait3A_131 = arith.constant 256 : i32
        %dma_wait3A_132 = tpu.memref_slice %dma_wait3A_130[%dma_wait3A_131] : memref<368xi32, #tpu.memory_space<hbm>> -> memref<112xi32, #tpu.memory_space<hbm>>
        tpu.wait_dma2 semaphore(%arg16 : memref<!tpu.dma_semaphore, #tpu.memory_space<semaphore_mem>>) src(%dma_wait3A_132 : memref<112xi32, #tpu.memory_space<hbm>>) dst(%arg8 : memref<112xi32, #tpu.memory_space<vmem>>)
        %dma_start3A_133 = arith.constant 0 : i32
        %dma_start3A_134 = arith.constant 0 : i32
        %dma_start3A_135 = tpu.memref_slice %arg2[%dma_start3A_133, %dma_start3A_134] : memref<10000x128xf32, #tpu.memory_space<hbm>> -> memref<10000x128xf32, #tpu.memory_space<hbm>>
        tpu.enqueue_indirect_dma source(%dma_start3A_135 : memref<10000x128xf32, #tpu.memory_space<hbm>>) target(%arg11 : memref<112x128xf32, #tpu.memory_space<vmem>>) offsets(%arg8 : memref<112xi32, #tpu.memory_space<vmem>>) semaphore(%arg14 : memref<!tpu.dma_semaphore, #tpu.memory_space<semaphore_mem>>)
        %add3A_136 = arith.constant 1 : i32
        %add3A_137 = arith.addi %scan3A_62, %add3A_136 : i32
        %dma_wait3A_138 = arith.constant 0 : i32
        %dma_wait3A_139 = arith.constant 0 : i32
        %dma_wait3A_140 = tpu.memref_slice %arg4[%add3A, %dma_wait3A_138, %dma_wait3A_139] : memref<32x28x368xi32, #tpu.memory_space<hbm>> -> memref<1x28x368xi32, #tpu.memory_space<hbm>>
        %dma_wait3A_141 = tpu.memref_squeeze %dma_wait3A_140 : memref<1x28x368xi32, #tpu.memory_space<hbm>> -> memref<28x368xi32, #tpu.memory_space<hbm>>
        %dma_wait3A_142 = arith.constant 0 : i32
        %dma_wait3A_143 = tpu.memref_slice %dma_wait3A_141[%add3A_137, %dma_wait3A_142] : memref<28x368xi32, #tpu.memory_space<hbm>> -> memref<1x368xi32, #tpu.memory_space<hbm>>
        %dma_wait3A_144 = tpu.memref_squeeze %dma_wait3A_143 : memref<1x368xi32, #tpu.memory_space<hbm>> -> memref<368xi32, #tpu.memory_space<hbm>>
        %dma_wait3A_145 = arith.constant 256 : i32
        %dma_wait3A_146 = tpu.memref_slice %dma_wait3A_144[%dma_wait3A_145] : memref<368xi32, #tpu.memory_space<hbm>> -> memref<112xi32, #tpu.memory_space<hbm>>
        %dma_wait3A_147 = arith.constant 0 : i32
        %dma_wait3A_148 = arith.constant 0 : i32
        %dma_wait3A_149 = tpu.memref_slice %arg4[%add3A, %dma_wait3A_147, %dma_wait3A_148] : memref<32x28x368xi32, #tpu.memory_space<hbm>> -> memref<1x28x368xi32, #tpu.memory_space<hbm>>
        %dma_wait3A_150 = tpu.memref_squeeze %dma_wait3A_149 : memref<1x28x368xi32, #tpu.memory_space<hbm>> -> memref<28x368xi32, #tpu.memory_space<hbm>>
        %dma_wait3A_151 = arith.constant 0 : i32
        %dma_wait3A_152 = tpu.memref_slice %dma_wait3A_150[%add3A_137, %dma_wait3A_151] : memref<28x368xi32, #tpu.memory_space<hbm>> -> memref<1x368xi32, #tpu.memory_space<hbm>>
        %dma_wait3A_153 = tpu.memref_squeeze %dma_wait3A_152 : memref<1x368xi32, #tpu.memory_space<hbm>> -> memref<368xi32, #tpu.memory_space<hbm>>
        %dma_wait3A_154 = arith.constant 256 : i32
        %dma_wait3A_155 = tpu.memref_slice %dma_wait3A_153[%dma_wait3A_154] : memref<368xi32, #tpu.memory_space<hbm>> -> memref<112xi32, #tpu.memory_space<hbm>>
        tpu.wait_dma2 semaphore(%arg18 : memref<!tpu.dma_semaphore, #tpu.memory_space<semaphore_mem>>) src(%dma_wait3A_155 : memref<112xi32, #tpu.memory_space<hbm>>) dst(%arg9 : memref<112xi32, #tpu.memory_space<vmem>>)
      } else {
      }
    }
    %scan3A_39 = arith.constant 28 : i32
    %barrier3A_40 = arith.constant 0 : index
    tpu.barrier barrier_id(%barrier3A_40)
    %mul3A_41 = arith.constant 632 : i32
    %mul3A_42 = arith.muli %arg1, %mul3A_41 : i32
    %add3A_43 = arith.constant 0 : i32
    %add3A_44 = arith.addi %mul3A_42, %add3A_43 : i32
    "tpu.region"() ({
      %run_scoped3A_62 = tpu.sem_alloc : memref<!tpu.dma_semaphore, #tpu.memory_space<semaphore_mem>>
      %dma_start3A_63 = arith.constant 0 : i32
      %dma_start3A_64 = tpu.memref_slice %arg12[%add3A_44, %dma_start3A_63] : memref<10112x128xf32, #tpu.memory_space<vmem_shared>> -> memref<256x128xf32, #tpu.memory_space<vmem_shared>>
      %dma_start3A_65 = arith.constant 0 : i32
      %dma_start3A_66 = tpu.memref_slice %arg12[%add3A_44, %dma_start3A_65] : memref<10112x128xf32, #tpu.memory_space<vmem_shared>> -> memref<256x128xf32, #tpu.memory_space<vmem_shared>>
      tpu.enqueue_dma source(%dma_start3A_66 : memref<256x128xf32, #tpu.memory_space<vmem_shared>>) target(%arg10 : memref<256x128xf32, #tpu.memory_space<vmem>>) target_semaphore(%run_scoped3A_62 : memref<!tpu.dma_semaphore, #tpu.memory_space<semaphore_mem>>)
      %dma_wait3A = arith.constant 0 : i32
      %dma_wait3A_67 = tpu.memref_slice %arg12[%add3A_44, %dma_wait3A] : memref<10112x128xf32, #tpu.memory_space<vmem_shared>> -> memref<256x128xf32, #tpu.memory_space<vmem_shared>>
      %dma_wait3A_68 = arith.constant 0 : i32
      %dma_wait3A_69 = tpu.memref_slice %arg12[%add3A_44, %dma_wait3A_68] : memref<10112x128xf32, #tpu.memory_space<vmem_shared>> -> memref<256x128xf32, #tpu.memory_space<vmem_shared>>
      tpu.wait_dma2 semaphore(%run_scoped3A_62 : memref<!tpu.dma_semaphore, #tpu.memory_space<semaphore_mem>>) src(%dma_wait3A_69 : memref<256x128xf32, #tpu.memory_space<vmem_shared>>) dst(%arg10 : memref<256x128xf32, #tpu.memory_space<vmem>>)
      tpu.yield
    }) : () -> ()
    %mul3A_45 = arith.constant 10112 : i32
    %mul3A_46 = arith.muli %arg0, %mul3A_45 : i32
    %add3A_47 = arith.addi %mul3A_46, %add3A_44 : i32
    "tpu.region"() ({
      %run_scoped3A_62 = tpu.sem_alloc : memref<!tpu.dma_semaphore, #tpu.memory_space<semaphore_mem>>
      %dma_start3A_63 = arith.constant 0 : i32
      %dma_start3A_64 = tpu.memref_slice %arg5[%add3A_47, %dma_start3A_63] : memref<20224x128xf32, #tpu.memory_space<hbm>> -> memref<256x128xf32, #tpu.memory_space<hbm>>
      %dma_start3A_65 = arith.constant 0 : i32
      %dma_start3A_66 = tpu.memref_slice %arg5[%add3A_47, %dma_start3A_65] : memref<20224x128xf32, #tpu.memory_space<hbm>> -> memref<256x128xf32, #tpu.memory_space<hbm>>
      tpu.enqueue_dma source(%arg10 : memref<256x128xf32, #tpu.memory_space<vmem>>) target(%dma_start3A_66 : memref<256x128xf32, #tpu.memory_space<hbm>>) target_semaphore(%run_scoped3A_62 : memref<!tpu.dma_semaphore, #tpu.memory_space<semaphore_mem>>)
      %dma_wait3A = arith.constant 0 : i32
      %dma_wait3A_67 = tpu.memref_slice %arg5[%add3A_47, %dma_wait3A] : memref<20224x128xf32, #tpu.memory_space<hbm>> -> memref<256x128xf32, #tpu.memory_space<hbm>>
      %dma_wait3A_68 = arith.constant 0 : i32
      %dma_wait3A_69 = tpu.memref_slice %arg5[%add3A_47, %dma_wait3A_68] : memref<20224x128xf32, #tpu.memory_space<hbm>> -> memref<256x128xf32, #tpu.memory_space<hbm>>
      tpu.wait_dma2 semaphore(%run_scoped3A_62 : memref<!tpu.dma_semaphore, #tpu.memory_space<semaphore_mem>>) src(%arg10 : memref<256x128xf32, #tpu.memory_space<vmem>>) dst(%dma_wait3A_69 : memref<256x128xf32, #tpu.memory_space<hbm>>)
      tpu.yield
    }) : () -> ()
    %mul3A_48 = arith.constant 632 : i32
    %mul3A_49 = arith.muli %arg1, %mul3A_48 : i32
    %add3A_50 = arith.constant 256 : i32
    %add3A_51 = arith.addi %mul3A_49, %add3A_50 : i32
    "tpu.region"() ({
      %run_scoped3A_62 = tpu.sem_alloc : memref<!tpu.dma_semaphore, #tpu.memory_space<semaphore_mem>>
      %dma_start3A_63 = arith.constant 0 : i32
      %dma_start3A_64 = tpu.memref_slice %arg12[%add3A_51, %dma_start3A_63] : memref<10112x128xf32, #tpu.memory_space<vmem_shared>> -> memref<256x128xf32, #tpu.memory_space<vmem_shared>>
      %dma_start3A_65 = arith.constant 0 : i32
      %dma_start3A_66 = tpu.memref_slice %arg12[%add3A_51, %dma_start3A_65] : memref<10112x128xf32, #tpu.memory_space<vmem_shared>> -> memref<256x128xf32, #tpu.memory_space<vmem_shared>>
      tpu.enqueue_dma source(%dma_start3A_66 : memref<256x128xf32, #tpu.memory_space<vmem_shared>>) target(%arg10 : memref<256x128xf32, #tpu.memory_space<vmem>>) target_semaphore(%run_scoped3A_62 : memref<!tpu.dma_semaphore, #tpu.memory_space<semaphore_mem>>)
      %dma_wait3A = arith.constant 0 : i32
      %dma_wait3A_67 = tpu.memref_slice %arg12[%add3A_51, %dma_wait3A] : memref<10112x128xf32, #tpu.memory_space<vmem_shared>> -> memref<256x128xf32, #tpu.memory_space<vmem_shared>>
      %dma_wait3A_68 = arith.constant 0 : i32
      %dma_wait3A_69 = tpu.memref_slice %arg12[%add3A_51, %dma_wait3A_68] : memref<10112x128xf32, #tpu.memory_space<vmem_shared>> -> memref<256x128xf32, #tpu.memory_space<vmem_shared>>
      tpu.wait_dma2 semaphore(%run_scoped3A_62 : memref<!tpu.dma_semaphore, #tpu.memory_space<semaphore_mem>>) src(%dma_wait3A_69 : memref<256x128xf32, #tpu.memory_space<vmem_shared>>) dst(%arg10 : memref<256x128xf32, #tpu.memory_space<vmem>>)
      tpu.yield
    }) : () -> ()
    %mul3A_52 = arith.constant 10112 : i32
    %mul3A_53 = arith.muli %arg0, %mul3A_52 : i32
    %add3A_54 = arith.addi %mul3A_53, %add3A_51 : i32
    "tpu.region"() ({
      %run_scoped3A_62 = tpu.sem_alloc : memref<!tpu.dma_semaphore, #tpu.memory_space<semaphore_mem>>
      %dma_start3A_63 = arith.constant 0 : i32
      %dma_start3A_64 = tpu.memref_slice %arg5[%add3A_54, %dma_start3A_63] : memref<20224x128xf32, #tpu.memory_space<hbm>> -> memref<256x128xf32, #tpu.memory_space<hbm>>
      %dma_start3A_65 = arith.constant 0 : i32
      %dma_start3A_66 = tpu.memref_slice %arg5[%add3A_54, %dma_start3A_65] : memref<20224x128xf32, #tpu.memory_space<hbm>> -> memref<256x128xf32, #tpu.memory_space<hbm>>
      tpu.enqueue_dma source(%arg10 : memref<256x128xf32, #tpu.memory_space<vmem>>) target(%dma_start3A_66 : memref<256x128xf32, #tpu.memory_space<hbm>>) target_semaphore(%run_scoped3A_62 : memref<!tpu.dma_semaphore, #tpu.memory_space<semaphore_mem>>)
      %dma_wait3A = arith.constant 0 : i32
      %dma_wait3A_67 = tpu.memref_slice %arg5[%add3A_54, %dma_wait3A] : memref<20224x128xf32, #tpu.memory_space<hbm>> -> memref<256x128xf32, #tpu.memory_space<hbm>>
      %dma_wait3A_68 = arith.constant 0 : i32
      %dma_wait3A_69 = tpu.memref_slice %arg5[%add3A_54, %dma_wait3A_68] : memref<20224x128xf32, #tpu.memory_space<hbm>> -> memref<256x128xf32, #tpu.memory_space<hbm>>
      tpu.wait_dma2 semaphore(%run_scoped3A_62 : memref<!tpu.dma_semaphore, #tpu.memory_space<semaphore_mem>>) src(%arg10 : memref<256x128xf32, #tpu.memory_space<vmem>>) dst(%dma_wait3A_69 : memref<256x128xf32, #tpu.memory_space<hbm>>)
      tpu.yield
    }) : () -> ()
    %mul3A_55 = arith.constant 632 : i32
    %mul3A_56 = arith.muli %arg1, %mul3A_55 : i32
    %add3A_57 = arith.constant 512 : i32
    %add3A_58 = arith.addi %mul3A_56, %add3A_57 : i32
    "tpu.region"() ({
      %run_scoped3A_62 = tpu.sem_alloc : memref<!tpu.dma_semaphore, #tpu.memory_space<semaphore_mem>>
      %dma_start3A_63 = arith.constant 0 : i32
      %dma_start3A_64 = arith.constant 0 : i32
      %dma_start3A_65 = tpu.memref_slice %arg10[%dma_start3A_63, %dma_start3A_64] : memref<256x128xf32, #tpu.memory_space<vmem>> -> memref<120x128xf32, #tpu.memory_space<vmem>>
      %dma_start3A_66 = arith.constant 0 : i32
      %dma_start3A_67 = tpu.memref_slice %arg12[%add3A_58, %dma_start3A_66] : memref<10112x128xf32, #tpu.memory_space<vmem_shared>> -> memref<120x128xf32, #tpu.memory_space<vmem_shared>>
      %dma_start3A_68 = arith.constant 0 : i32
      %dma_start3A_69 = arith.constant 0 : i32
      %dma_start3A_70 = tpu.memref_slice %arg10[%dma_start3A_68, %dma_start3A_69] : memref<256x128xf32, #tpu.memory_space<vmem>> -> memref<120x128xf32, #tpu.memory_space<vmem>>
      %dma_start3A_71 = arith.constant 0 : i32
      %dma_start3A_72 = tpu.memref_slice %arg12[%add3A_58, %dma_start3A_71] : memref<10112x128xf32, #tpu.memory_space<vmem_shared>> -> memref<120x128xf32, #tpu.memory_space<vmem_shared>>
      tpu.enqueue_dma source(%dma_start3A_72 : memref<120x128xf32, #tpu.memory_space<vmem_shared>>) target(%dma_start3A_70 : memref<120x128xf32, #tpu.memory_space<vmem>>) target_semaphore(%run_scoped3A_62 : memref<!tpu.dma_semaphore, #tpu.memory_space<semaphore_mem>>)
      %dma_wait3A = arith.constant 0 : i32
      %dma_wait3A_73 = arith.constant 0 : i32
      %dma_wait3A_74 = tpu.memref_slice %arg10[%dma_wait3A, %dma_wait3A_73] : memref<256x128xf32, #tpu.memory_space<vmem>> -> memref<120x128xf32, #tpu.memory_space<vmem>>
      %dma_wait3A_75 = arith.constant 0 : i32
      %dma_wait3A_76 = tpu.memref_slice %arg12[%add3A_58, %dma_wait3A_75] : memref<10112x128xf32, #tpu.memory_space<vmem_shared>> -> memref<120x128xf32, #tpu.memory_space<vmem_shared>>
      %dma_wait3A_77 = arith.constant 0 : i32
      %dma_wait3A_78 = arith.constant 0 : i32
      %dma_wait3A_79 = tpu.memref_slice %arg10[%dma_wait3A_77, %dma_wait3A_78] : memref<256x128xf32, #tpu.memory_space<vmem>> -> memref<120x128xf32, #tpu.memory_space<vmem>>
      %dma_wait3A_80 = arith.constant 0 : i32
      %dma_wait3A_81 = tpu.memref_slice %arg12[%add3A_58, %dma_wait3A_80] : memref<10112x128xf32, #tpu.memory_space<vmem_shared>> -> memref<120x128xf32, #tpu.memory_space<vmem_shared>>
      tpu.wait_dma2 semaphore(%run_scoped3A_62 : memref<!tpu.dma_semaphore, #tpu.memory_space<semaphore_mem>>) src(%dma_wait3A_81 : memref<120x128xf32, #tpu.memory_space<vmem_shared>>) dst(%dma_wait3A_79 : memref<120x128xf32, #tpu.memory_space<vmem>>)
      tpu.yield
    }) : () -> ()
    %mul3A_59 = arith.constant 10112 : i32
    %mul3A_60 = arith.muli %arg0, %mul3A_59 : i32
    %add3A_61 = arith.addi %mul3A_60, %add3A_58 : i32
    "tpu.region"() ({
      %run_scoped3A_62 = tpu.sem_alloc : memref<!tpu.dma_semaphore, #tpu.memory_space<semaphore_mem>>
      %dma_start3A_63 = arith.constant 0 : i32
      %dma_start3A_64 = arith.constant 0 : i32
      %dma_start3A_65 = tpu.memref_slice %arg10[%dma_start3A_63, %dma_start3A_64] : memref<256x128xf32, #tpu.memory_space<vmem>> -> memref<120x128xf32, #tpu.memory_space<vmem>>
      %dma_start3A_66 = arith.constant 0 : i32
      %dma_start3A_67 = tpu.memref_slice %arg5[%add3A_61, %dma_start3A_66] : memref<20224x128xf32, #tpu.memory_space<hbm>> -> memref<120x128xf32, #tpu.memory_space<hbm>>
      %dma_start3A_68 = arith.constant 0 : i32
      %dma_start3A_69 = tpu.memref_slice %arg5[%add3A_61, %dma_start3A_68] : memref<20224x128xf32, #tpu.memory_space<hbm>> -> memref<120x128xf32, #tpu.memory_space<hbm>>
      %dma_start3A_70 = arith.constant 0 : i32
      %dma_start3A_71 = arith.constant 0 : i32
      %dma_start3A_72 = tpu.memref_slice %arg10[%dma_start3A_70, %dma_start3A_71] : memref<256x128xf32, #tpu.memory_space<vmem>> -> memref<120x128xf32, #tpu.memory_space<vmem>>
      tpu.enqueue_dma source(%dma_start3A_72 : memref<120x128xf32, #tpu.memory_space<vmem>>) target(%dma_start3A_69 : memref<120x128xf32, #tpu.memory_space<hbm>>) target_semaphore(%run_scoped3A_62 : memref<!tpu.dma_semaphore, #tpu.memory_space<semaphore_mem>>)
      %dma_wait3A = arith.constant 0 : i32
      %dma_wait3A_73 = arith.constant 0 : i32
      %dma_wait3A_74 = tpu.memref_slice %arg10[%dma_wait3A, %dma_wait3A_73] : memref<256x128xf32, #tpu.memory_space<vmem>> -> memref<120x128xf32, #tpu.memory_space<vmem>>
      %dma_wait3A_75 = arith.constant 0 : i32
      %dma_wait3A_76 = tpu.memref_slice %arg5[%add3A_61, %dma_wait3A_75] : memref<20224x128xf32, #tpu.memory_space<hbm>> -> memref<120x128xf32, #tpu.memory_space<hbm>>
      %dma_wait3A_77 = arith.constant 0 : i32
      %dma_wait3A_78 = tpu.memref_slice %arg5[%add3A_61, %dma_wait3A_77] : memref<20224x128xf32, #tpu.memory_space<hbm>> -> memref<120x128xf32, #tpu.memory_space<hbm>>
      %dma_wait3A_79 = arith.constant 0 : i32
      %dma_wait3A_80 = arith.constant 0 : i32
      %dma_wait3A_81 = tpu.memref_slice %arg10[%dma_wait3A_79, %dma_wait3A_80] : memref<256x128xf32, #tpu.memory_space<vmem>> -> memref<120x128xf32, #tpu.memory_space<vmem>>
      tpu.wait_dma2 semaphore(%run_scoped3A_62 : memref<!tpu.dma_semaphore, #tpu.memory_space<semaphore_mem>>) src(%dma_wait3A_81 : memref<120x128xf32, #tpu.memory_space<vmem>>) dst(%dma_wait3A_78 : memref<120x128xf32, #tpu.memory_space<hbm>>)
      tpu.yield
    }) : () -> ()
    return
  }
}

module attributes {stable_mosaic.version = 14 : i64} {
  func.func @_xw_body(%arg0: i32, %arg1: memref<1024x128xf32, #tpu.memory_space<vmem>>, %arg2: memref<128x128xf32, #tpu.memory_space<vmem>>, %arg3: memref<2x1024x1xf32, #tpu.memory_space<vmem>>, %arg4: memref<1024x128xf32, #tpu.memory_space<vmem>>) attributes {dimension_semantics = [#tpu.dimension_semantics<arbitrary>], iteration_bounds = array<i64: 10>, scalar_prefetch = 0 : i64, scratch_operands = 0 : i64, tpu.core_type = #tpu.core_type<tc>, window_params = [{transform_indices = @transform_0, window_bounds = array<i64: 1024, 128>}, {pipeline_mode = #tpu.pipeline_mode<synchronous>, transform_indices = @transform_1, window_bounds = array<i64: 128, 128>}, {transform_indices = @transform_2, window_bounds = array<i64: 2, 1024, 1>}, {transform_indices = @transform_3, window_bounds = array<i64: 1024, 128>}]} {
    %get3A = arith.constant 0 : index
    %get3A_0 = arith.constant 0 : index
    %get3A_1 = vector.load %arg1[%get3A, %get3A_0] : memref<1024x128xf32, #tpu.memory_space<vmem>>, vector<1024x128xf32>
    %get3A_2 = arith.constant 0 : index
    %get3A_3 = arith.constant 0 : index
    %get3A_4 = vector.load %arg2[%get3A_2, %get3A_3] : memref<128x128xf32, #tpu.memory_space<vmem>>, vector<128x128xf32>
    %dot_general3A = arith.constant dense<0.000000e+00> : vector<1024x128xf32>
    %dot_general3A_5 = tpu.matmul %get3A_1, %get3A_4, %dot_general3A {dimension_numbers = #tpu.dot_dimension_numbers<[1], [0], [0], [1], [0, 0, 1, 1], [], []>, transpose_lhs_hint = false} : vector<1024x128xf32>, vector<128x128xf32>, vector<1024x128xf32> -> vector<1024x128xf32>
    %get3A_6 = arith.constant 0 : index
    %get3A_7 = arith.constant 0 : index
    %get3A_8 = arith.constant 0 : index
    %get3A_9 = vector.load %arg3[%get3A_6, %get3A_7, %get3A_8] : memref<2x1024x1xf32, #tpu.memory_space<vmem>>, vector<1x1024x1xf32>
    %get3A_10 = vector.shape_cast %get3A_9 : vector<1x1024x1xf32> to vector<1024x1xf32>
    %get3A_11 = arith.constant 1 : index
    %get3A_12 = arith.constant 0 : index
    %get3A_13 = arith.constant 0 : index
    %get3A_14 = vector.load %arg3[%get3A_11, %get3A_12, %get3A_13] : memref<2x1024x1xf32, #tpu.memory_space<vmem>>, vector<1x1024x1xf32>
    %get3A_15 = vector.shape_cast %get3A_14 : vector<1x1024x1xf32> to vector<1024x1xf32>
    %add3A = arith.addf %get3A_10, %get3A_15 : vector<1024x1xf32>
    %add3A_16 = arith.constant 1.000000e+00 : f32
    %add3A_17 = vector.broadcast %add3A_16 : f32 to vector<1024x1xf32>
    %add3A_18 = arith.addf %add3A, %add3A_17 : vector<1024x1xf32>
    %rsqrt3A = math.rsqrt %add3A_18 : vector<1024x1xf32>
    %mul3A = vector.broadcast %rsqrt3A : vector<1024x1xf32> to vector<1024x128xf32>
    %mul3A_19 = arith.mulf %dot_general3A_5, %mul3A : vector<1024x128xf32>
    %swap3A = arith.constant 0 : index
    %swap3A_20 = arith.constant 0 : index
    %swap3A_21 = vector.load %arg4[%swap3A, %swap3A_20] : memref<1024x128xf32, #tpu.memory_space<vmem>>, vector<1024x128xf32>
    tpu.vector_store %arg4[%swap3A, %swap3A_20], %mul3A_19 {strides = array<i32>} : memref<1024x128xf32, #tpu.memory_space<vmem>>, vector<1024x128xf32>,
    return
  }
  func.func @transform_0(%arg0: i32) -> (i32, i32) {
    %c0_i32 = arith.constant 0 : i32
    %c0_i32_0 = arith.constant 0 : i32
    return %arg0, %c0_i32 : i32, i32
  }
  func.func @transform_1(%arg0: i32) -> (i32, i32) {
    %c0_i32 = arith.constant 0 : i32
    %c0_i32_0 = arith.constant 0 : i32
    %c0_i32_1 = arith.constant 0 : i32
    return %c0_i32, %c0_i32_0 : i32, i32
  }
  func.func @transform_2(%arg0: i32) -> (i32, i32, i32) {
    %c0_i32 = arith.constant 0 : i32
    %c0_i32_0 = arith.constant 0 : i32
    %c0_i32_1 = arith.constant 0 : i32
    return %c0_i32, %arg0, %c0_i32_0 : i32, i32, i32
  }
  func.func @transform_3(%arg0: i32) -> (i32, i32) {
    %c0_i32 = arith.constant 0 : i32
    %c0_i32_0 = arith.constant 0 : i32
    return %arg0, %c0_i32 : i32, i32
  }
}

module attributes {stable_mosaic.version = 14 : i64} {
  func.func @_mlp_body(%arg0: i32, %arg1: memref<2x1024x128xf32, #tpu.memory_space<vmem>>, %arg2: memref<1024x128xf32, #tpu.memory_space<vmem>>, %arg3: memref<1024x128xf32, #tpu.memory_space<vmem>>, %arg4: memref<2x1024x1xf32, #tpu.memory_space<vmem>>, %arg5: memref<1x128xf32, #tpu.memory_space<vmem>>, %arg6: memref<128x32xf32, #tpu.memory_space<vmem>>, %arg7: memref<1x32xf32, #tpu.memory_space<vmem>>, %arg8: memref<32x32xf32, #tpu.memory_space<vmem>>, %arg9: memref<1x32xf32, #tpu.memory_space<vmem>>, %arg10: memref<32x1xf32, #tpu.memory_space<vmem>>, %arg11: memref<1x1xf32, #tpu.memory_space<vmem>>, %arg12: memref<1024x1xf32, #tpu.memory_space<vmem>>) attributes {dimension_semantics = [#tpu.dimension_semantics<arbitrary>], iteration_bounds = array<i64: 10>, scalar_prefetch = 0 : i64, scratch_operands = 0 : i64, tpu.core_type = #tpu.core_type<tc>, window_params = [{transform_indices = @transform_0, window_bounds = array<i64: 2, 1024, 128>}, {transform_indices = @transform_1, window_bounds = array<i64: 1024, 128>}, {transform_indices = @transform_2, window_bounds = array<i64: 1024, 128>}, {transform_indices = @transform_3, window_bounds = array<i64: 2, 1024, 1>}, {pipeline_mode = #tpu.pipeline_mode<synchronous>, transform_indices = @transform_4, window_bounds = array<i64: 1, 128>}, {pipeline_mode = #tpu.pipeline_mode<synchronous>, transform_indices = @transform_5, window_bounds = array<i64: 128, 32>}, {pipeline_mode = #tpu.pipeline_mode<synchronous>, transform_indices = @transform_6, window_bounds = array<i64: 1, 32>}, {pipeline_mode = #tpu.pipeline_mode<synchronous>, transform_indices = @transform_7, window_bounds = array<i64: 32, 32>}, {pipeline_mode = #tpu.pipeline_mode<synchronous>, transform_indices = @transform_8, window_bounds = array<i64: 1, 32>}, {pipeline_mode = #tpu.pipeline_mode<synchronous>, transform_indices = @transform_9, window_bounds = array<i64: 32, 1>}, {pipeline_mode = #tpu.pipeline_mode<synchronous>, transform_indices = @transform_10, window_bounds = array<i64: 1, 1>}, {transform_indices = @transform_11, window_bounds = array<i64: 1024, 1>}]} {
    %get3A = arith.constant 0 : index
    %get3A_0 = arith.constant 0 : index
    %get3A_1 = arith.constant 0 : index
    %get3A_2 = vector.load %arg4[%get3A, %get3A_0, %get3A_1] : memref<2x1024x1xf32, #tpu.memory_space<vmem>>, vector<1x1024x1xf32>
    %get3A_3 = vector.shape_cast %get3A_2 : vector<1x1024x1xf32> to vector<1024x1xf32>
    %get3A_4 = arith.constant 1 : index
    %get3A_5 = arith.constant 0 : index
    %get3A_6 = arith.constant 0 : index
    %get3A_7 = vector.load %arg4[%get3A_4, %get3A_5, %get3A_6] : memref<2x1024x1xf32, #tpu.memory_space<vmem>>, vector<1x1024x1xf32>
    %get3A_8 = vector.shape_cast %get3A_7 : vector<1x1024x1xf32> to vector<1024x1xf32>
    %add3A = arith.addf %get3A_3, %get3A_8 : vector<1024x1xf32>
    %add3A_9 = arith.constant 1.000000e+00 : f32
    %add3A_10 = vector.broadcast %add3A_9 : f32 to vector<1024x1xf32>
    %add3A_11 = arith.addf %add3A, %add3A_10 : vector<1024x1xf32>
    %rsqrt3A = math.rsqrt %add3A_11 : vector<1024x1xf32>
    %get3A_12 = arith.constant 0 : index
    %get3A_13 = arith.constant 0 : index
    %get3A_14 = arith.constant 0 : index
    %get3A_15 = vector.load %arg1[%get3A_12, %get3A_13, %get3A_14] : memref<2x1024x128xf32, #tpu.memory_space<vmem>>, vector<1x1024x128xf32>
    %get3A_16 = vector.shape_cast %get3A_15 : vector<1x1024x128xf32> to vector<1024x128xf32>
    %get3A_17 = arith.constant 1 : index
    %get3A_18 = arith.constant 0 : index
    %get3A_19 = arith.constant 0 : index
    %get3A_20 = vector.load %arg1[%get3A_17, %get3A_18, %get3A_19] : memref<2x1024x128xf32, #tpu.memory_space<vmem>>, vector<1x1024x128xf32>
    %get3A_21 = vector.shape_cast %get3A_20 : vector<1x1024x128xf32> to vector<1024x128xf32>
    %add3A_22 = arith.addf %get3A_16, %get3A_21 : vector<1024x128xf32>
    %get3A_23 = arith.constant 0 : index
    %get3A_24 = arith.constant 0 : index
    %get3A_25 = vector.load %arg2[%get3A_23, %get3A_24] : memref<1024x128xf32, #tpu.memory_space<vmem>>, vector<1024x128xf32>
    %add3A_26 = arith.addf %add3A_22, %get3A_25 : vector<1024x128xf32>
    %mul3A = vector.broadcast %rsqrt3A : vector<1024x1xf32> to vector<1024x128xf32>
    %mul3A_27 = arith.mulf %mul3A, %add3A_26 : vector<1024x128xf32>
    %get3A_28 = arith.constant 0 : index
    %get3A_29 = arith.constant 0 : index
    %get3A_30 = vector.load %arg5[%get3A_28, %get3A_29] : memref<1x128xf32, #tpu.memory_space<vmem>>, vector<1x128xf32>
    %add3A_31 = vector.broadcast %get3A_30 : vector<1x128xf32> to vector<1024x128xf32>
    %add3A_32 = arith.addf %mul3A_27, %add3A_31 : vector<1024x128xf32>
    %max3A = arith.constant 0.000000e+00 : f32
    %max3A_33 = vector.broadcast %max3A : f32 to vector<1024x128xf32>
    %max3A_34 = arith.maximumf %add3A_32, %max3A_33 : vector<1024x128xf32>
    %get3A_35 = arith.constant 0 : index
    %get3A_36 = arith.constant 0 : index
    %get3A_37 = vector.load %arg3[%get3A_35, %get3A_36] : memref<1024x128xf32, #tpu.memory_space<vmem>>, vector<1024x128xf32>
    %add3A_38 = arith.addf %max3A_34, %get3A_37 : vector<1024x128xf32>
    %get3A_39 = arith.constant 0 : index
    %get3A_40 = arith.constant 0 : index
    %get3A_41 = vector.load %arg6[%get3A_39, %get3A_40] : memref<128x32xf32, #tpu.memory_space<vmem>>, vector<128x32xf32>
    %dot_general3A = arith.constant dense<0.000000e+00> : vector<1024x32xf32>
    %dot_general3A_42 = tpu.matmul %add3A_38, %get3A_41, %dot_general3A {dimension_numbers = #tpu.dot_dimension_numbers<[1], [0], [0], [1], [0, 0, 1, 1], [], []>, transpose_lhs_hint = false} : vector<1024x128xf32>, vector<128x32xf32>, vector<1024x32xf32> -> vector<1024x32xf32>
    %get3A_43 = arith.constant 0 : index
    %get3A_44 = arith.constant 0 : index
    %get3A_45 = vector.load %arg7[%get3A_43, %get3A_44] : memref<1x32xf32, #tpu.memory_space<vmem>>, vector<1x32xf32>
    %add3A_46 = vector.broadcast %get3A_45 : vector<1x32xf32> to vector<1024x32xf32>
    %add3A_47 = arith.addf %dot_general3A_42, %add3A_46 : vector<1024x32xf32>
    %ge3A = arith.constant 0.000000e+00 : f32
    %ge3A_48 = vector.broadcast %ge3A : f32 to vector<1024x32xf32>
    %ge3A_49 = arith.cmpf oge, %add3A_47, %ge3A_48 : vector<1024x32xf32>
    %mul3A_50 = arith.constant 0.00999999977 : f32
    %mul3A_51 = vector.broadcast %mul3A_50 : f32 to vector<1024x32xf32>
    %mul3A_52 = arith.mulf %mul3A_51, %add3A_47 : vector<1024x32xf32>
    %select_n3A = arith.select %ge3A_49, %add3A_47, %mul3A_52 : vector<1024x32xi1>, vector<1024x32xf32>
    %get3A_53 = arith.constant 0 : index
    %get3A_54 = arith.constant 0 : index
    %get3A_55 = vector.load %arg8[%get3A_53, %get3A_54] : memref<32x32xf32, #tpu.memory_space<vmem>>, vector<32x32xf32>
    %dot_general3A_56 = arith.constant dense<0.000000e+00> : vector<1024x32xf32>
    %dot_general3A_57 = tpu.matmul %select_n3A, %get3A_55, %dot_general3A_56 {dimension_numbers = #tpu.dot_dimension_numbers<[1], [0], [0], [1], [0, 0, 1, 1], [], []>, transpose_lhs_hint = false} : vector<1024x32xf32>, vector<32x32xf32>, vector<1024x32xf32> -> vector<1024x32xf32>
    %get3A_58 = arith.constant 0 : index
    %get3A_59 = arith.constant 0 : index
    %get3A_60 = vector.load %arg9[%get3A_58, %get3A_59] : memref<1x32xf32, #tpu.memory_space<vmem>>, vector<1x32xf32>
    %add3A_61 = vector.broadcast %get3A_60 : vector<1x32xf32> to vector<1024x32xf32>
    %add3A_62 = arith.addf %dot_general3A_57, %add3A_61 : vector<1024x32xf32>
    %ge3A_63 = arith.constant 0.000000e+00 : f32
    %ge3A_64 = vector.broadcast %ge3A_63 : f32 to vector<1024x32xf32>
    %ge3A_65 = arith.cmpf oge, %add3A_62, %ge3A_64 : vector<1024x32xf32>
    %mul3A_66 = arith.constant 0.00999999977 : f32
    %mul3A_67 = vector.broadcast %mul3A_66 : f32 to vector<1024x32xf32>
    %mul3A_68 = arith.mulf %mul3A_67, %add3A_62 : vector<1024x32xf32>
    %select_n3A_69 = arith.select %ge3A_65, %add3A_62, %mul3A_68 : vector<1024x32xi1>, vector<1024x32xf32>
    %get3A_70 = arith.constant 0 : index
    %get3A_71 = arith.constant 0 : index
    %get3A_72 = vector.load %arg10[%get3A_70, %get3A_71] : memref<32x1xf32, #tpu.memory_space<vmem>>, vector<32x1xf32>
    %dot_general3A_73 = arith.constant dense<0.000000e+00> : vector<1024x1xf32>
    %dot_general3A_74 = tpu.matmul %select_n3A_69, %get3A_72, %dot_general3A_73 {dimension_numbers = #tpu.dot_dimension_numbers<[1], [0], [0], [1], [0, 0, 1, 1], [], []>, transpose_lhs_hint = false} : vector<1024x32xf32>, vector<32x1xf32>, vector<1024x1xf32> -> vector<1024x1xf32>
    %get3A_75 = arith.constant 0 : index
    %get3A_76 = arith.constant 0 : index
    %get3A_77 = vector.load %arg11[%get3A_75, %get3A_76] : memref<1x1xf32, #tpu.memory_space<vmem>>, vector<1x1xf32>
    %add3A_78 = vector.broadcast %get3A_77 : vector<1x1xf32> to vector<1024x1xf32>
    %add3A_79 = arith.addf %dot_general3A_74, %add3A_78 : vector<1024x1xf32>
    %custom_jvp_call3A = arith.constant 0.000000e+00 : f32
    %max3A_80 = vector.broadcast %custom_jvp_call3A : f32 to vector<1024x1xf32>
    %max3A_81 = arith.maximumf %add3A_79, %max3A_80 : vector<1024x1xf32>
    %sub3A = vector.broadcast %custom_jvp_call3A : f32 to vector<1024x1xf32>
    %sub3A_82 = arith.subf %add3A_79, %sub3A : vector<1024x1xf32>
    %ne3A = arith.cmpf one, %sub3A_82, %sub3A_82 : vector<1024x1xf32>
    %add3A_83 = vector.broadcast %custom_jvp_call3A : f32 to vector<1024x1xf32>
    %add3A_84 = arith.addf %add3A_79, %add3A_83 : vector<1024x1xf32>
    %abs3A = math.absf %sub3A_82 : vector<1024x1xf32>
    %neg3A = arith.constant 0.000000e+00 : f32
    %neg3A_85 = vector.broadcast %neg3A : f32 to vector<1024x1xf32>
    %neg3A_86 = arith.subf %neg3A_85, %abs3A : vector<1024x1xf32>
    %exp3A = math.exp %neg3A_86 : vector<1024x1xf32>
    %log1p3A = math.log1p %exp3A : vector<1024x1xf32>
    %add3A_87 = arith.addf %max3A_81, %log1p3A : vector<1024x1xf32>
    %select_n3A_88 = arith.select %ne3A, %add3A_84, %add3A_87 : vector<1024x1xi1>, vector<1024x1xf32>
    %add3A_89 = arith.constant 9.99999968E-21 : f32
    %add3A_90 = vector.broadcast %add3A_89 : f32 to vector<1024x1xf32>
    %add3A_91 = arith.addf %select_n3A_88, %add3A_90 : vector<1024x1xf32>
    %swap3A = arith.constant 0 : index
    %swap3A_92 = arith.constant 0 : index
    %swap3A_93 = vector.load %arg12[%swap3A, %swap3A_92] : memref<1024x1xf32, #tpu.memory_space<vmem>>, vector<1024x1xf32>
    tpu.vector_store %arg12[%swap3A, %swap3A_92], %add3A_91 {strides = array<i32>} : memref<1024x1xf32, #tpu.memory_space<vmem>>, vector<1024x1xf32>,
    return
  }
  func.func @transform_0(%arg0: i32) -> (i32, i32, i32) {
    %c0_i32 = arith.constant 0 : i32
    %c0_i32_0 = arith.constant 0 : i32
    %c0_i32_1 = arith.constant 0 : i32
    return %c0_i32, %arg0, %c0_i32_0 : i32, i32, i32
  }
  func.func @transform_1(%arg0: i32) -> (i32, i32) {
    %c0_i32 = arith.constant 0 : i32
    %c0_i32_0 = arith.constant 0 : i32
    return %arg0, %c0_i32 : i32, i32
  }
  func.func @transform_2(%arg0: i32) -> (i32, i32) {
    %c0_i32 = arith.constant 0 : i32
    %c0_i32_0 = arith.constant 0 : i32
    return %arg0, %c0_i32 : i32, i32
  }
  func.func @transform_3(%arg0: i32) -> (i32, i32, i32) {
    %c0_i32 = arith.constant 0 : i32
    %c0_i32_0 = arith.constant 0 : i32
    %c0_i32_1 = arith.constant 0 : i32
    return %c0_i32, %arg0, %c0_i32_0 : i32, i32, i32
  }
  func.func @transform_4(%arg0: i32) -> (i32, i32) {
    %c0_i32 = arith.constant 0 : i32
    %c0_i32_0 = arith.constant 0 : i32
    %c0_i32_1 = arith.constant 0 : i32
    return %c0_i32, %c0_i32_0 : i32, i32
  }
  func.func @transform_5(%arg0: i32) -> (i32, i32) {
    %c0_i32 = arith.constant 0 : i32
    %c0_i32_0 = arith.constant 0 : i32
    %c0_i32_1 = arith.constant 0 : i32
    return %c0_i32, %c0_i32_0 : i32, i32
  }
  func.func @transform_6(%arg0: i32) -> (i32, i32) {
    %c0_i32 = arith.constant 0 : i32
    %c0_i32_0 = arith.constant 0 : i32
    %c0_i32_1 = arith.constant 0 : i32
    return %c0_i32, %c0_i32_0 : i32, i32
  }
  func.func @transform_7(%arg0: i32) -> (i32, i32) {
    %c0_i32 = arith.constant 0 : i32
    %c0_i32_0 = arith.constant 0 : i32
    %c0_i32_1 = arith.constant 0 : i32
    return %c0_i32, %c0_i32_0 : i32, i32
  }
  func.func @transform_8(%arg0: i32) -> (i32, i32) {
    %c0_i32 = arith.constant 0 : i32
    %c0_i32_0 = arith.constant 0 : i32
    %c0_i32_1 = arith.constant 0 : i32
    return %c0_i32, %c0_i32_0 : i32, i32
  }
  func.func @transform_9(%arg0: i32) -> (i32, i32) {
    %c0_i32 = arith.constant 0 : i32
    %c0_i32_0 = arith.constant 0 : i32
    %c0_i32_1 = arith.constant 0 : i32
    return %c0_i32, %c0_i32_0 : i32, i32
  }
  func.func @transform_10(%arg0: i32) -> (i32, i32) {
    %c0_i32 = arith.constant 0 : i32
    %c0_i32_0 = arith.constant 0 : i32
    %c0_i32_1 = arith.constant 0 : i32
    return %c0_i32, %c0_i32_0 : i32, i32
  }
  func.func @transform_11(%arg0: i32) -> (i32, i32) {
    %c0_i32 = arith.constant 0 : i32
    %c0_i32_0 = arith.constant 0 : i32
    return %arg0, %c0_i32 : i32, i32
  }
}

module attributes {stable_mosaic.version = 14 : i64} {
  func.func @_dir_body(%arg0: memref<1250x8xf32, #tpu.memory_space<vmem>>, %arg1: memref<1250x8xf32, #tpu.memory_space<vmem>>, %arg2: memref<1250x8xf32, #tpu.memory_space<vmem>>, %arg3: memref<1250x1xf32, #tpu.memory_space<vmem>>) attributes {dimension_semantics = [], scalar_prefetch = 0 : i64, scratch_operands = 0 : i64, tpu.core_type = #tpu.core_type<tc>} {
    %get3A = arith.constant 0 : index
    %get3A_0 = arith.constant 0 : index
    %get3A_1 = vector.load %arg0[%get3A, %get3A_0] : memref<1250x8xf32, #tpu.memory_space<vmem>>, vector<1250x8xf32>
    %get3A_2 = arith.constant 0 : index
    %get3A_3 = arith.constant 0 : index
    %get3A_4 = vector.load %arg1[%get3A_2, %get3A_3] : memref<1250x8xf32, #tpu.memory_space<vmem>>, vector<1250x8xf32>
    %reduce_sum3A = arith.constant dense<0.000000e+00> : vector<1250xf32>
    %reduce_sum3A_5 = vector.multi_reduction <add>, %get3A_1, %reduce_sum3A [1] : vector<1250x8xf32> to vector<1250xf32>
    %broadcast_in_dim3A = vector.shape_cast %reduce_sum3A_5 : vector<1250xf32> to vector<1250x1xf32>
    %div3A = vector.broadcast %broadcast_in_dim3A : vector<1250x1xf32> to vector<1250x8xf32>
    %div3A_6 = arith.divf %get3A_1, %div3A : vector<1250x8xf32>
    %swap3A = arith.constant 0 : index
    %swap3A_7 = arith.constant 0 : index
    %swap3A_8 = vector.load %arg2[%swap3A, %swap3A_7] : memref<1250x8xf32, #tpu.memory_space<vmem>>, vector<1250x8xf32>
    tpu.vector_store %arg2[%swap3A, %swap3A_7], %div3A_6 {strides = array<i32>} : memref<1250x8xf32, #tpu.memory_space<vmem>>, vector<1250x8xf32>,
    %sub3A = arith.constant 1.000000e+00 : f32
    %sub3A_9 = vector.broadcast %sub3A : f32 to vector<1250x8xf32>
    %sub3A_10 = arith.subf %get3A_4, %sub3A_9 : vector<1250x8xf32>
    %log3A = math.log %div3A_6 : vector<1250x8xf32>
    %mul3A = arith.mulf %sub3A_10, %log3A : vector<1250x8xf32>
    %reduce_sum3A_11 = arith.constant dense<0.000000e+00> : vector<1250xf32>
    %reduce_sum3A_12 = vector.multi_reduction <add>, %mul3A, %reduce_sum3A_11 [1] : vector<1250x8xf32> to vector<1250xf32>
    %broadcast_in_dim3A_13 = vector.shape_cast %reduce_sum3A_12 : vector<1250xf32> to vector<1250x1xf32>
    %reduce_sum3A_14 = arith.constant dense<0.000000e+00> : vector<1250xf32>
    %reduce_sum3A_15 = vector.multi_reduction <add>, %get3A_4, %reduce_sum3A_14 [1] : vector<1250x8xf32> to vector<1250xf32>
    %broadcast_in_dim3A_16 = vector.shape_cast %reduce_sum3A_15 : vector<1250xf32> to vector<1250x1xf32>
    %add3A = arith.constant 2.000000e+00 : f32
    %add3A_17 = vector.broadcast %add3A : f32 to vector<1250x1xf32>
    %add3A_18 = arith.addf %broadcast_in_dim3A_16, %add3A_17 : vector<1250x1xf32>
    %broadcast_in_dim3A_19 = arith.constant 1.000000e+00 : f32
    %broadcast_in_dim3A_20 = vector.broadcast %broadcast_in_dim3A_19 : f32 to vector<1250x1xf32>
    %add3A_21 = arith.constant 0.000000e+00 : f32
    %add3A_22 = vector.broadcast %add3A_21 : f32 to vector<1250x1xf32>
    %add3A_23 = arith.addf %add3A_18, %add3A_22 : vector<1250x1xf32>
    %div3A_24 = arith.constant 676.520386 : f32
    %div3A_25 = vector.broadcast %div3A_24 : f32 to vector<1250x1xf32>
    %div3A_26 = arith.divf %div3A_25, %add3A_23 : vector<1250x1xf32>
    %add3A_27 = arith.addf %broadcast_in_dim3A_20, %div3A_26 : vector<1250x1xf32>
    %add3A_28 = arith.constant 1.000000e+00 : f32
    %add3A_29 = vector.broadcast %add3A_28 : f32 to vector<1250x1xf32>
    %add3A_30 = arith.addf %add3A_18, %add3A_29 : vector<1250x1xf32>
    %div3A_31 = arith.constant -1259.13916 : f32
    %div3A_32 = vector.broadcast %div3A_31 : f32 to vector<1250x1xf32>
    %div3A_33 = arith.divf %div3A_32, %add3A_30 : vector<1250x1xf32>
    %add3A_34 = arith.addf %add3A_27, %div3A_33 : vector<1250x1xf32>
    %add3A_35 = arith.constant 2.000000e+00 : f32
    %add3A_36 = vector.broadcast %add3A_35 : f32 to vector<1250x1xf32>
    %add3A_37 = arith.addf %add3A_18, %add3A_36 : vector<1250x1xf32>
    %div3A_38 = arith.constant 771.323425 : f32
    %div3A_39 = vector.broadcast %div3A_38 : f32 to vector<1250x1xf32>
    %div3A_40 = arith.divf %div3A_39, %add3A_37 : vector<1250x1xf32>
    %add3A_41 = arith.addf %add3A_34, %div3A_40 : vector<1250x1xf32>
    %add3A_42 = arith.constant 3.000000e+00 : f32
    %add3A_43 = vector.broadcast %add3A_42 : f32 to vector<1250x1xf32>
    %add3A_44 = arith.addf %add3A_18, %add3A_43 : vector<1250x1xf32>
    %div3A_45 = arith.constant -176.615036 : f32
    %div3A_46 = vector.broadcast %div3A_45 : f32 to vector<1250x1xf32>
    %div3A_47 = arith.divf %div3A_46, %add3A_44 : vector<1250x1xf32>
    %add3A_48 = arith.addf %add3A_41, %div3A_47 : vector<1250x1xf32>
    %add3A_49 = arith.constant 4.000000e+00 : f32
    %add3A_50 = vector.broadcast %add3A_49 : f32 to vector<1250x1xf32>
    %add3A_51 = arith.addf %add3A_18, %add3A_50 : vector<1250x1xf32>
    %div3A_52 = arith.constant 12.5073433 : f32
    %div3A_53 = vector.broadcast %div3A_52 : f32 to vector<1250x1xf32>
    %div3A_54 = arith.divf %div3A_53, %add3A_51 : vector<1250x1xf32>
    %add3A_55 = arith.addf %add3A_48, %div3A_54 : vector<1250x1xf32>
    %add3A_56 = arith.constant 5.000000e+00 : f32
    %add3A_57 = vector.broadcast %add3A_56 : f32 to vector<1250x1xf32>
    %add3A_58 = arith.addf %add3A_18, %add3A_57 : vector<1250x1xf32>
    %div3A_59 = arith.constant -0.138571098 : f32
    %div3A_60 = vector.broadcast %div3A_59 : f32 to vector<1250x1xf32>
    %div3A_61 = arith.divf %div3A_60, %add3A_58 : vector<1250x1xf32>
    %add3A_62 = arith.addf %add3A_55, %div3A_61 : vector<1250x1xf32>
    %add3A_63 = arith.constant 6.000000e+00 : f32
    %add3A_64 = vector.broadcast %add3A_63 : f32 to vector<1250x1xf32>
    %add3A_65 = arith.addf %add3A_18, %add3A_64 : vector<1250x1xf32>
    %div3A_66 = arith.constant 9.98436917E-6 : f32
    %div3A_67 = vector.broadcast %div3A_66 : f32 to vector<1250x1xf32>
    %div3A_68 = arith.divf %div3A_67, %add3A_65 : vector<1250x1xf32>
    %add3A_69 = arith.addf %add3A_62, %div3A_68 : vector<1250x1xf32>
    %add3A_70 = arith.constant 7.000000e+00 : f32
    %add3A_71 = vector.broadcast %add3A_70 : f32 to vector<1250x1xf32>
    %add3A_72 = arith.addf %add3A_18, %add3A_71 : vector<1250x1xf32>
    %div3A_73 = arith.constant 1.50563267E-7 : f32
    %div3A_74 = vector.broadcast %div3A_73 : f32 to vector<1250x1xf32>
    %div3A_75 = arith.divf %div3A_74, %add3A_72 : vector<1250x1xf32>
    %add3A_76 = arith.addf %add3A_69, %div3A_75 : vector<1250x1xf32>
    %add3A_77 = arith.constant 6.500000e+00 : f32
    %add3A_78 = vector.broadcast %add3A_77 : f32 to vector<1250x1xf32>
    %add3A_79 = arith.addf %add3A_18, %add3A_78 : vector<1250x1xf32>
    %sub3A_80 = arith.constant 5.000000e-01 : f32
    %sub3A_81 = vector.broadcast %sub3A_80 : f32 to vector<1250x1xf32>
    %sub3A_82 = arith.subf %add3A_18, %sub3A_81 : vector<1250x1xf32>
    %log3A_83 = math.log %add3A_79 : vector<1250x1xf32>
    %mul3A_84 = arith.mulf %sub3A_82, %log3A_83 : vector<1250x1xf32>
    %add3A_85 = arith.constant 0.918938517 : f32
    %add3A_86 = vector.broadcast %add3A_85 : f32 to vector<1250x1xf32>
    %add3A_87 = arith.addf %add3A_86, %mul3A_84 : vector<1250x1xf32>
    %sub3A_88 = arith.subf %add3A_87, %add3A_79 : vector<1250x1xf32>
    %log3A_89 = math.log %add3A_76 : vector<1250x1xf32>
    %add3A_90 = arith.addf %sub3A_88, %log3A_89 : vector<1250x1xf32>
    %log3A_91 = math.log %broadcast_in_dim3A_16 : vector<1250x1xf32>
    %sub3A_92 = arith.subf %add3A_90, %log3A_91 : vector<1250x1xf32>
    %add3A_93 = arith.constant 1.000000e+00 : f32
    %add3A_94 = vector.broadcast %add3A_93 : f32 to vector<1250x1xf32>
    %add3A_95 = arith.addf %broadcast_in_dim3A_16, %add3A_94 : vector<1250x1xf32>
    %log3A_96 = math.log %add3A_95 : vector<1250x1xf32>
    %sub3A_97 = arith.subf %sub3A_92, %log3A_96 : vector<1250x1xf32>
    %add3A_98 = arith.addf %broadcast_in_dim3A_13, %sub3A_97 : vector<1250x1xf32>
    %add3A_99 = arith.constant 2.000000e+00 : f32
    %add3A_100 = vector.broadcast %add3A_99 : f32 to vector<1250x8xf32>
    %add3A_101 = arith.addf %get3A_4, %add3A_100 : vector<1250x8xf32>
    %broadcast_in_dim3A_102 = arith.constant 1.000000e+00 : f32
    %broadcast_in_dim3A_103 = vector.broadcast %broadcast_in_dim3A_102 : f32 to vector<1250x8xf32>
    %add3A_104 = arith.constant 0.000000e+00 : f32
    %add3A_105 = vector.broadcast %add3A_104 : f32 to vector<1250x8xf32>
    %add3A_106 = arith.addf %add3A_101, %add3A_105 : vector<1250x8xf32>
    %div3A_107 = arith.constant 676.520386 : f32
    %div3A_108 = vector.broadcast %div3A_107 : f32 to vector<1250x8xf32>
    %div3A_109 = arith.divf %div3A_108, %add3A_106 : vector<1250x8xf32>
    %add3A_110 = arith.addf %broadcast_in_dim3A_103, %div3A_109 : vector<1250x8xf32>
    %add3A_111 = arith.constant 1.000000e+00 : f32
    %add3A_112 = vector.broadcast %add3A_111 : f32 to vector<1250x8xf32>
    %add3A_113 = arith.addf %add3A_101, %add3A_112 : vector<1250x8xf32>
    %div3A_114 = arith.constant -1259.13916 : f32
    %div3A_115 = vector.broadcast %div3A_114 : f32 to vector<1250x8xf32>
    %div3A_116 = arith.divf %div3A_115, %add3A_113 : vector<1250x8xf32>
    %add3A_117 = arith.addf %add3A_110, %div3A_116 : vector<1250x8xf32>
    %add3A_118 = arith.constant 2.000000e+00 : f32
    %add3A_119 = vector.broadcast %add3A_118 : f32 to vector<1250x8xf32>
    %add3A_120 = arith.addf %add3A_101, %add3A_119 : vector<1250x8xf32>
    %div3A_121 = arith.constant 771.323425 : f32
    %div3A_122 = vector.broadcast %div3A_121 : f32 to vector<1250x8xf32>
    %div3A_123 = arith.divf %div3A_122, %add3A_120 : vector<1250x8xf32>
    %add3A_124 = arith.addf %add3A_117, %div3A_123 : vector<1250x8xf32>
    %add3A_125 = arith.constant 3.000000e+00 : f32
    %add3A_126 = vector.broadcast %add3A_125 : f32 to vector<1250x8xf32>
    %add3A_127 = arith.addf %add3A_101, %add3A_126 : vector<1250x8xf32>
    %div3A_128 = arith.constant -176.615036 : f32
    %div3A_129 = vector.broadcast %div3A_128 : f32 to vector<1250x8xf32>
    %div3A_130 = arith.divf %div3A_129, %add3A_127 : vector<1250x8xf32>
    %add3A_131 = arith.addf %add3A_124, %div3A_130 : vector<1250x8xf32>
    %add3A_132 = arith.constant 4.000000e+00 : f32
    %add3A_133 = vector.broadcast %add3A_132 : f32 to vector<1250x8xf32>
    %add3A_134 = arith.addf %add3A_101, %add3A_133 : vector<1250x8xf32>
    %div3A_135 = arith.constant 12.5073433 : f32
    %div3A_136 = vector.broadcast %div3A_135 : f32 to vector<1250x8xf32>
    %div3A_137 = arith.divf %div3A_136, %add3A_134 : vector<1250x8xf32>
    %add3A_138 = arith.addf %add3A_131, %div3A_137 : vector<1250x8xf32>
    %add3A_139 = arith.constant 5.000000e+00 : f32
    %add3A_140 = vector.broadcast %add3A_139 : f32 to vector<1250x8xf32>
    %add3A_141 = arith.addf %add3A_101, %add3A_140 : vector<1250x8xf32>
    %div3A_142 = arith.constant -0.138571098 : f32
    %div3A_143 = vector.broadcast %div3A_142 : f32 to vector<1250x8xf32>
    %div3A_144 = arith.divf %div3A_143, %add3A_141 : vector<1250x8xf32>
    %add3A_145 = arith.addf %add3A_138, %div3A_144 : vector<1250x8xf32>
    %add3A_146 = arith.constant 6.000000e+00 : f32
    %add3A_147 = vector.broadcast %add3A_146 : f32 to vector<1250x8xf32>
    %add3A_148 = arith.addf %add3A_101, %add3A_147 : vector<1250x8xf32>
    %div3A_149 = arith.constant 9.98436917E-6 : f32
    %div3A_150 = vector.broadcast %div3A_149 : f32 to vector<1250x8xf32>
    %div3A_151 = arith.divf %div3A_150, %add3A_148 : vector<1250x8xf32>
    %add3A_152 = arith.addf %add3A_145, %div3A_151 : vector<1250x8xf32>
    %add3A_153 = arith.constant 7.000000e+00 : f32
    %add3A_154 = vector.broadcast %add3A_153 : f32 to vector<1250x8xf32>
    %add3A_155 = arith.addf %add3A_101, %add3A_154 : vector<1250x8xf32>
    %div3A_156 = arith.constant 1.50563267E-7 : f32
    %div3A_157 = vector.broadcast %div3A_156 : f32 to vector<1250x8xf32>
    %div3A_158 = arith.divf %div3A_157, %add3A_155 : vector<1250x8xf32>
    %add3A_159 = arith.addf %add3A_152, %div3A_158 : vector<1250x8xf32>
    %add3A_160 = arith.constant 6.500000e+00 : f32
    %add3A_161 = vector.broadcast %add3A_160 : f32 to vector<1250x8xf32>
    %add3A_162 = arith.addf %add3A_101, %add3A_161 : vector<1250x8xf32>
    %sub3A_163 = arith.constant 5.000000e-01 : f32
    %sub3A_164 = vector.broadcast %sub3A_163 : f32 to vector<1250x8xf32>
    %sub3A_165 = arith.subf %add3A_101, %sub3A_164 : vector<1250x8xf32>
    %log3A_166 = math.log %add3A_162 : vector<1250x8xf32>
    %mul3A_167 = arith.mulf %sub3A_165, %log3A_166 : vector<1250x8xf32>
    %add3A_168 = arith.constant 0.918938517 : f32
    %add3A_169 = vector.broadcast %add3A_168 : f32 to vector<1250x8xf32>
    %add3A_170 = arith.addf %add3A_169, %mul3A_167 : vector<1250x8xf32>
    %sub3A_171 = arith.subf %add3A_170, %add3A_162 : vector<1250x8xf32>
    %log3A_172 = math.log %add3A_159 : vector<1250x8xf32>
    %add3A_173 = arith.addf %sub3A_171, %log3A_172 : vector<1250x8xf32>
    %log3A_174 = math.log %get3A_4 : vector<1250x8xf32>
    %sub3A_175 = arith.subf %add3A_173, %log3A_174 : vector<1250x8xf32>
    %add3A_176 = arith.constant 1.000000e+00 : f32
    %add3A_177 = vector.broadcast %add3A_176 : f32 to vector<1250x8xf32>
    %add3A_178 = arith.addf %get3A_4, %add3A_177 : vector<1250x8xf32>
    %log3A_179 = math.log %add3A_178 : vector<1250x8xf32>
    %sub3A_180 = arith.subf %sub3A_175, %log3A_179 : vector<1250x8xf32>
    %reduce_sum3A_181 = arith.constant dense<0.000000e+00> : vector<1250xf32>
    %reduce_sum3A_182 = vector.multi_reduction <add>, %sub3A_180, %reduce_sum3A_181 [1] : vector<1250x8xf32> to vector<1250xf32>
    %broadcast_in_dim3A_183 = vector.shape_cast %reduce_sum3A_182 : vector<1250xf32> to vector<1250x1xf32>
    %sub3A_184 = arith.subf %add3A_98, %broadcast_in_dim3A_183 : vector<1250x1xf32>
    %swap3A_185 = arith.constant 0 : index
    %swap3A_186 = arith.constant 0 : index
    %swap3A_187 = vector.load %arg3[%swap3A_185, %swap3A_186] : memref<1250x1xf32, #tpu.memory_space<vmem>>, vector<1250x1xf32>
    tpu.vector_store %arg3[%swap3A_185, %swap3A_186], %sub3A_184 {strides = array<i32>} : memref<1250x1xf32, #tpu.memory_space<vmem>>, vector<1250x1xf32>,
    return
  }
}

</mosaic_0001>

<sc_bundles>
// kernel: kernel.10.cloned.1.call-start
scs
__scs_entry_jumppad:
0x0: {  	(pc) =	sbr.rel $0x88, $3  }
0x1: {  	(tag) =	ssettag $0x0;
	lr =	simm.s32 $0x1  }
0x2: {  	[smem:$0x3F97] =	sst lr;
	_ =	strace $0xD0000000  }
0x3: {  	_ = 	snop  }
0x4: {  	_ = 	snop  }
0x5: {  	_ = 	snop  }
0x6: {  	_ = 	snop  }
0x7: {  	_ = 	snop  }
__scs_overlays_trampoline_lowered:
0x8: {  	[smem:$0x3FA6] =	sst s0  }
0x9: {  	[smem:$0x3FA7] =	sst s1  }
0xa: {  	[smem:$0x3FA8] =	sst s2  }
0xb: {  	[smem:$0x3FA9] =	sst s3  }
0xc: {  	[smem:$0x3FAA] =	sst s4  }
0xd: {  	[smem:$0x3FAB] =	sst s5  }
0xe: {  	[smem:$0x3FAC] =	sst s6  }
0xf: {  	[smem:$0x3FAD] =	sst s7  }
0x10: {  	[smem:$0x3FAE] =	sst s8  }
0x11: {  	[smem:$0x3FAF] =	sst s9;
	s0 =	simm.s32 @!p0 $0x0  }
0x12: {  	s1 =	sld [smem:$0x3F95];
	s0 =	simm.s32 @p0 $0x1  }
0x13: {  	[smem:$0x3FB0] =	sst s0;
	s0 =	simm.s32 @!p1 $0x0  }
0x14: {  	s2 =	sld [smem:$0x3F94];
	s0 =	simm.s32 @p1 $0x1  }
0x15: {  	[smem:$0x3FB1] =	sst s0;
	s0 =	simm.s32 @!p2 $0x0  }
0x16: {  	s3 =	sld [smem:$0x3FDB];
	s0 =	simm.s32 @p2 $0x1  }
0x17: {  	s4 =	simm.s32 $0x1BF5;
	[smem:$0x3FB3] =	sst s0  }
0x18: {  	s0 =	sld [smem:$0x3F96];
	_ =	swait.ge [sflag:s4], $0x0  }
0x19: {  	s7 =	sld [smem:$0x3F97]  }
0x1a: {  	s8 =	sadd.s32 $0xFFFFE003, lr  }
0x1b: {  	s9 =	sadd.s32 $0xFFFFFEF7, lr;
	s5 =	simm.s32 $0xFFFFFFFF;
	p2 =	slt.u32 s8, $0xFFFFF086  }
0x1c: {  	p1 =	slt.u32 s9, $0xF7A;
	s5 =	simm.s32 @!p2 $0x0  }
0x1d: {  	s5 =	simm.s32 @p1 $0x1;
	p0 =	seq.s32 s7, s2  }
0x1e: {  	s7 =	smul.u32 @!p0 $0xF7A, s2;
	p2 =	seq.s32 @!p0 s5, $0x0  }
0x1f: {  	s9 =	smul.u32 $0xF7A, s1;
	s8 =	simm.s32 @!p0 $0x1BF5;
	p2 =	por !p2, p0  }
0x20: {  	[sflag:s8] =	ssyncset.s32 @!p0 $0xFFFFF086;
	s6 =	sadd.s32 @!p0 s3, s7;
	s7 =	simm.s32 @!p0 $0x108  }
0x21: {  	s3 =	sadd.s32 s3, s9;
	s6 =	sadd.s32 @!p0 $0x88, s6;
	s7 =	simm.s32 @p2 $0x1082  }
0x22: {  	[simem:s7], [sflag:s8] =	dma.local @!p0 [hbm:s6], $0xF7A  }
0x23: {  	s9 =	sor.u32 $0xD0000000, s2;
	s6 =	simm.s32 $0x108;
	_ =	swait.ge @!p0 [sflag:s8], $0x0  }
0x24: {  	s3 =	sadd.s32 $0x88, s3;
	s6 =	simm.s32 @!p1 $0x1082;
	[sflag:s4] =	ssyncset.s32 $0xFFFFF086  }
0x25: {  	[simem:s6], [sflag:s4] =	dma.local [hbm:s3], $0xF7A  }
0x26: {  	[smem:$0x3F97] =	sst s1;
	(tag) =	ssettag s2;
	_ =	strace s9  }
0x27: {  	s1 =	sld [smem:$0x3FA7]  }
0x28: {  	s2 =	sld [smem:$0x3FA8]  }
0x29: {  	s4 =	sld [smem:$0x3FAA]  }
0x2a: {  	p0 =	seq.s32 s5, $0x0;
	s5 =	sld [smem:$0x3FAB]  }
0x2b: {  	s6 =	sld [smem:$0x3FAC]  }
0x2c: {  	s7 =	sld [smem:$0x3FAD]  }
0x2d: {  	s3 =	simm.s32 $0x108;
	s8 =	sld [smem:$0x3FAE]  }
0x2e: {  	s3 =	simm.s32 @!p0 $0x1082;
	s9 =	sld [smem:$0x3FAF]  }
0x2f: {  	lr =	sadd.s32 s0, s3;
	s0 =	sld [smem:$0x3FA6]  }
0x30: {  	s3 =	sld [smem:$0x3FA9]  }
0x31: {  	[smem:$0x3FB2] =	sst s10  }
0x32: {  	s10 =	sld [smem:$0x3FB0];
	_ =	sdelay $0x3  }
0x33: {  	p0 =	seq.s32 s10, $0x1;
	s10 =	sld [smem:$0x3FB2];
	_ =	sdelay $0x3  }
0x34: {  	[smem:$0x3FB2] =	sst s10  }
0x35: {  	s10 =	sld [smem:$0x3FB1];
	_ =	sdelay $0x3  }
0x36: {  	p1 =	seq.s32 s10, $0x1;
	s10 =	sld [smem:$0x3FB2];
	_ =	sdelay $0x3  }
0x37: {  	[smem:$0x3FB2] =	sst s10  }
0x38: {  	s10 =	sld [smem:$0x3FB3]  }
0x39: {  	_ = 	snop;
	(pc) =	sbr.ind lr, $3  }
0x3a: {  	_ = 	snop  }
0x3b: {  	_ = 	snop  }
0x3c: {  	p2 =	seq.s32 s10, $0x1;
	s10 =	sld [smem:$0x3FB2]  }
0x3d: {  	_ =	shalt  }
0x3e: {  	_ =	shalt  }
0x3f: {  	_ =	shalt  }
0x40: {  	_ =	shalt  }
0x41: {  	_ =	shalt  }
0x42: {  	_ =	shalt  }
0x43: {  	_ =	shalt  }
0x44: {  	_ =	shalt  }
0x45: {  	_ =	shalt  }
0x46: {  	_ =	shalt  }
0x47: {  	_ =	shalt  }
0x48: {  	_ =	shalt  }
0x49: {  	_ =	shalt  }
0x4a: {  	_ =	shalt  }
0x4b: {  	_ =	shalt  }
0x4c: {  	_ =	shalt  }
0x4d: {  	_ =	shalt  }
0x4e: {  	_ =	shalt  }
0x4f: {  	_ =	shalt  }
0x50: {  	_ =	shalt  }
0x51: {  	_ =	shalt  }
0x52: {  	_ =	shalt  }
0x53: {  	_ =	shalt  }
0x54: {  	_ =	shalt  }
0x55: {  	_ =	shalt  }
0x56: {  	_ =	shalt  }
0x57: {  	_ =	shalt  }
0x58: {  	_ =	shalt  }
0x59: {  	_ =	shalt  }
0x5a: {  	_ =	shalt  }
0x5b: {  	_ =	shalt  }
0x5c: {  	_ =	shalt  }
0x5d: {  	_ =	shalt  }
0x5e: {  	_ =	shalt  }
0x5f: {  	_ =	shalt  }
0x60: {  	_ =	shalt  }
0x61: {  	_ =	shalt  }
0x62: {  	_ =	shalt  }
0x63: {  	_ =	shalt  }
0x64: {  	_ =	shalt  }
0x65: {  	_ =	shalt  }
0x66: {  	_ =	shalt  }
0x67: {  	_ =	shalt  }
0x68: {  	_ =	shalt  }
0x69: {  	_ =	shalt  }
0x6a: {  	_ =	shalt  }
0x6b: {  	_ =	shalt  }
0x6c: {  	_ =	shalt  }
0x6d: {  	_ =	shalt  }
0x6e: {  	_ =	shalt  }
0x6f: {  	_ =	shalt  }
0x70: {  	_ =	shalt  }
0x71: {  	_ =	shalt  }
0x72: {  	_ =	shalt  }
0x73: {  	_ =	shalt  }
0x74: {  	_ =	shalt  }
0x75: {  	_ =	shalt  }
0x76: {  	_ =	shalt  }
0x77: {  	_ =	shalt  }
0x78: {  	_ =	shalt  }
0x79: {  	_ =	shalt  }
0x7a: {  	_ =	shalt  }
0x7b: {  	_ =	shalt  }
0x7c: {  	_ =	shalt  }
0x7d: {  	_ =	shalt  }
0x7e: {  	_ =	shalt  }
0x7f: {  	_ =	shalt  }
0x80: {  	_ =	shalt  }
0x81: {  	_ =	shalt  }
0x82: {  	_ =	shalt  }
0x83: {  	_ =	shalt  }
0x84: {  	_ =	shalt  }
0x85: {  	_ =	shalt  }
0x86: {  	_ =	shalt  }
0x87: {  	_ =	shalt  }
.Lfunc_end0:
.L_simem_size_0:
called_computation.1_lowered:
.L_overlay_start_0:
0x88: {  	s2 =	sld [smem:$0x3FD9]  }
0x89: {  	s3 =	sld [smem:$0x3FFE];
	_ =	sdelay $0x1  }
0x8a: {  	s1 =	srdreg.scid  }
0x8b: {  	s0 =	sand.u32 $0x1, s1  }
0x8c: {  	s16 =	sshll.u32 s0, $0xA;
	s2 =	sadd.s32 s3, s2  }
0x8d: {  	s2 =	sadd.s32 s2, s16  }
0x8e: {  	[smem:$0x3FBE] =	sst s2  }
0x8f: {  	_ = 	snop  }
0x90: {  	(tm) =	ssettm $0x1  }
0x91: {  	s17 =	sld [smem:$0x3FFB];
	_ =	sdelay $0x3  }
0x92: {  	_ =	strace s17  }
0x93: {  	s2 =	sld [smem:$0x3FFC];
	_ =	sdelay $0x3  }
0x94: {  	_ =	strace s2  }
0x95: {  	s2 =	sld [smem:$0x3FFD];
	_ =	sdelay $0x3  }
0x96: {  	_ =	strace s2  }
0x97: {  	_ =	strace $0x8FFFFFFF  }
0x98: {  	s18 =	sld [smem:$0x3FDB];
	_ =	sdelay $0x1  }
0x99: {  	s19 =	simm.s32 $_scs_section_size  }
0x9a: {  	s4 =	simm.s32 $_size__tile_overlayer_lowered;
	s5 =	simm.s32 $_tile_overlayer_lowered  }
0x9b: {  	s22 =	simm.s32 $0x1BFF;
	s21 =	sshll.u32 s5, $0x1;
	s2 =	sadd.s32 s19, s18  }
0x9c: {  	s6 =	simm.s32 $0x0;
	s20 =	sshll.u32 s4, $0x1;
	s4 =	sadd.s32 s21, s2  }
0x9d: {  	[timem:s6], [sflag:s22] =	dma.local [hbm:s4], s20  }
0x9e: {  	_ =	swait.ge [sflag:s22], s20  }
0x9f: {  	s3 =	ssub.s32 $0x0, s20;
	[sflag:s22] =	ssyncset.done $0x0  }
0xa0: {  	[sflag:s22] =	ssyncadd.s32 s3;
	_ =	sdelay $0x1  }
0xa1: {  	s23 =	simm.s32 $0x1B8B  }
0xa2: {  	_ =	swait.ge [sflag:s23], $0x1  }
0xa3: {  	[sflag:s23] =	ssyncset.done $0x0  }
0xa4: {  	s25 =	simm.s32 $0x1B8E;
	s24 =	sld [smem:$0x3FFE];
	[sflag:s23] =	ssyncadd.s32 $0xFFFFFFFF  }
0xa5: {  	s26 =	simm.s32 $execute0_lowered;
	[smem:$0x3FD2] =	sst s25  }
0xa6: {  	s4 =	sshll.u32 s26, $0x1;
	_ =	strace $0x80000049;
	[dreg:$0x1] =	wrdreg $0xFFFFFFFF  }
0xa7: {  	s28 =	simm.s32 $_size_execute0_lowered;
	s2 =	sadd.s32 s2, s4;
	[dreg:$0x0] =	wrdreg $0x0  }
0xa8: {  	s4 =	sshll.u32 s28, $0x1;
	[dreg:$0x2] =	wrdreg s2  }
0xa9: {  	[dreg:$0x3] =	wrdreg s4  }
0xaa: {  	[dreg:$0x4] =	wrdreg $0xC0  }
0xab: {  	_ =	task [dreg:s6], $0x5FFFF  }
0xac: {  	[dreg:$0x1] =	wrdreg $0xFFFFFFFF  }
0xad: {  	[dreg:$0x0] =	wrdreg $0x60  }
0xae: {  	[dreg:$0x2] =	wrdreg s24  }
0xaf: {  	[dreg:$0x3] =	wrdreg $0xBB000  }
0xb0: {  	[dreg:$0x4] =	wrdreg $0x9  }
0xb1: {  	_ =	task.clear_ibuf [dreg:s6], $0x5FFFF;
	_ =	strace $0x90000049  }
0xb2: {  	s29 =	simm.s32 $0x9;
	_ =	strace $0x8000004B  }
0xb3: {  	_ =	swait.ge [sflag:s29], $0x1  }
0xb4: {  	[sflag:s29] =	ssyncadd.s32 $0xFFFFFFFF  }
0xb5: {  	_ =	strace $0x9000004B  }
0xb6: {  	_ =	sfence  }
0xb7: {  	s30 =	sld [smem:$0x0];
	_ =	sdelay $0x2  }
0xb8: {  	s31 =	sshll.u32 s1, $0xD;
	s1 =	sshrl.u32 s1, $0x2  }
0xb9: {  	s3 =	sand.u32 $0x4000, s31;
	s1 =	sadd.s32 s1, s30  }
0xba: {  	s0 =	sor.u32 s3, s0;
	s1 =	sshll.u32 s1, $0x11  }
0xbb: {  	s0 =	sor.u32 s1, s0  }
0xbc: {  	s0 =	sadd.s32 $0x8F2B, s0  }
0xbd: {  	[sflag:s0] =	ssyncadd.remote.s32 $0x1  }
0xbe: {  	_ =	sfence.sel $0xFFFF  }
0xbf: {  	[dreg:$0x0] =	wrdreg $0xFFFFFFFF;
	(pc) =	sbr.abs _section_cstart, $3  }
0xc0: {  	[dreg:$0x1] =	wrdreg $0xFFFFFFFF  }
0xc1: {  	_ =	task.clear_ibuf [dreg:s6], $0x2FFFF;
	_ =	strace $0x9FFFFFFF  }
0xc2: {  	(tm) =	ssettm $0x7FFFFFFF  }
0xc3: {  	_ =	shalt  }
tec
execute0_lowered:
.L_overlay_start_1:
0x0: {  	(tag) =	ssettag $0x1  }
0x1: {  	s5 =	rddreg [dreg:$0x0];
	s1 =	srdreg.scid  }
0x2: {  	s0 =	stileid.u32;
	s2 =	rddreg [dreg:$0x1]  }
0x3: {  	s3 =	simm.s32 $0x0;
	s18 =	simm.s32 $0x400;
	s19 =	simm.s32 $0x100  }
0x4: {  	s20 =	simm.s32 $0x200;
	s21 =	simm.s32 $0x280;
	s22 =	simm.s32 $0x70  }
0x5: {  	s23 =	simm.s32 $0x8300;
	s24 =	simm.s32 $0x1;
	s8 =	sand.u32 $0x1, s1  }
0x6: {  	s4 =	sshll.u32 s0, $0x1;
	[smem:$0x7FF] =	sst s3;
	s7 =	smul.u32 $0x4F000, s0  }
0x7: {  	s12 =	smul.u32 $0x278, s0;
	s14 =	sadd.s32 $0x98C00, s5;
	s4 =	sor.u32 s8, s4  }
0x8: {  	_ =	strace $0x8000004A;
	s25 =	ssub.s32 $0x2, s8;
	s17 =	smul.u32 $0x2780, s8  }
0x9: {  	s6 =	smul.u32 $0x600, s4;
	s4 =	sadd.s32 $0x71A00, s5;
	s26 =	sshrl.u32 s25, $0x1  }
0xa: {  	s7 =	sshrl.u32 s7, $0x2;
	s13 =	sadd.s32 $0x100, s12;
	s16 =	sadd.s32 $0x200, s12  }
0xb: {  	s15 =	ssub.s32 s25, s26;
	s29 =	sshll.u32 s13, $0x7;
	s9 =	sshll.u32 s16, $0x7  }
0xc: {  	s12 =	sadd.s32 s12, s17;
	s13 =	sadd.s32 s17, s13;
	s16 =	sadd.s32 s17, s16  }
0xd: {  	s17 =	simm.s32 $0x7;
	s25 =	simm.s32 $0x0;
	s11 =	sadd.s32 s6, s5  }
0xe: {  	s5 =	sadd.s32 s7, s2;
	s7 =	sadd.s32 s29, s2;
	s9 =	sadd.s32 s9, s2  }
0xf: {  	s12 =	sshll.u32 s12, $0x4;
	s13 =	sshll.u32 s13, $0x4;
	s16 =	sshll.u32 s16, $0x4  }
0x10: {  	s15 =	smax.u32 s15, $0x1;
	s28 =	sadd.s32 $0x4000, s5;
	s30 =	sadd.s32 $0xC000, s5  }
0x11: {  	s10 =	sadd.s32 $0xAA00, s11;
	s11 =	sadd.s32 $0x16A00, s11;
	[dreg:$0x3] =	wrdreg s28  }
0x12: {  	s31 =	sadd.s32 s14, s12;
	s13 =	sadd.s32 s14, s13;
	[dreg:$0x4] =	wrdreg s30  }
0x13: {  	v0 =	vimm.f32 $0.0e+00;
	s14 =	sadd.s32 s14, s16;
	s16 =	simm.s32 $0x300;
	[dreg:$0x5] =	wrdreg s31  }
.LBB2_1:
0x14: {  	s26 =	simm.s32 $0x0;
	s28 =	simm.s32 $0x200  }
.LBB2_2:
0x15: {  	p0 =	sne.s32 s28, $0xFE00;
	[tilespmem:s26+$0x370] =	vst v0  }
0x16: {  	[tilespmem:s26+$0x300] =	vst v0  }
0x17: {  	[tilespmem:s26+$0x310] =	vst v0  }
.Ltmp0:
0x18: {  	[tilespmem:s26+$0x320] =	vst v0;
	(pc) =	sbr.rel @p0 .LBB2_2-.Ltmp0, $4  }
0x19: {  	[tilespmem:s26+$0x330] =	vst v0  }
0x1a: {  	[tilespmem:s26+$0x340] =	vst v0  }
0x1b: {  	[tilespmem:s26+$0x350] =	vst v0  }
0x1c: {  	[tilespmem:s26+$0x360] =	vst v0;
	s26 =	sshra.s32 s28, $0x2;
	s28 =	sadd.s32 $0x200, s28  }
0x1d: {  	[tilespmem:s26+$0x370] =	vst v0  }
0x1e: {  	[tilespmem:s26+$0x300] =	vst v0  }
0x1f: {  	[tilespmem:s26+$0x310] =	vst v0  }
0x20: {  	[tilespmem:s26+$0x320] =	vst v0  }
0x21: {  	[tilespmem:s26+$0x330] =	vst v0  }
0x22: {  	[tilespmem:s26+$0x340] =	vst v0  }
0x23: {  	[tilespmem:s26+$0x350] =	vst v0  }
0x24: {  	[tilespmem:s26+$0x360] =	vst v0  }
0x25: {  	[spmem:s5] =	stream.linear.scatter [tilespmem:s16], [sflag:$0x7], $0x4000, $0x38;
	[tilespmem:$0x1F700] =	vst v63  }
0x26: {  	_ =	swait.ge [sflag:s17], $0x4000  }
0x27: {  	[sflag:s17] =	ssyncset.done $0x0  }
0x28: {  	s0 =	rddreg [dreg:$0x3];
	[sflag:s17] =	ssyncadd.s32 $0xFFFFC000  }
0x29: {  	[spmem:s0] =	stream.linear.scatter [tilespmem:s16], [sflag:$0x7], $0x4000, $0x38;
	[tilespmem:$0x1F700] =	vst v63  }
0x2a: {  	_ =	swait.ge [sflag:s17], $0x4000  }
0x2b: {  	[sflag:s17] =	ssyncset.done $0x0  }
0x2c: {  	[sflag:s17] =	ssyncadd.s32 $0xFFFFC000  }
0x2d: {  	[spmem:s7] =	stream.linear.scatter [tilespmem:s16], [sflag:$0x7], $0x4000, $0x38;
	[tilespmem:$0x1F700] =	vst v63  }
0x2e: {  	_ =	swait.ge [sflag:s17], $0x4000  }
0x2f: {  	[sflag:s17] =	ssyncset.done $0x0  }
0x30: {  	s31 =	rddreg [dreg:$0x4];
	[sflag:s17] =	ssyncadd.s32 $0xFFFFC000  }
0x31: {  	[spmem:s31] =	stream.linear.scatter [tilespmem:s16], [sflag:$0x7], $0x4000, $0x38;
	[tilespmem:$0x1F700] =	vst v63  }
0x32: {  	_ =	swait.ge [sflag:s17], $0x4000  }
0x33: {  	[sflag:s17] =	ssyncset.done $0x0  }
0x34: {  	[sflag:s17] =	ssyncadd.s32 $0xFFFFC000  }
0x35: {  	[spmem:s9] =	stream.linear.scatter [tilespmem:s16], [sflag:$0x7], $0x3C00, $0x38;
	[tilespmem:$0x1F700] =	vst v63  }
0x36: {  	_ =	swait.ge [sflag:s17], $0x3C00  }
0x37: {  	[sflag:s17] =	ssyncset.done $0x0  }
0x38: {  	[sflag:s17] =	ssyncadd.s32 $0xFFFFC400  }
0x39: {  	s26 =	simm.s32 $0x80;
	[bflag:$0x0] =	sbarrier.arrive $0xFFFF  }
0x3a: {  	[tilespmem:s3], [sflag:$0x7] =	stream.strided.gather [hbm4b:s10+s26], $0x100, s18, s26, $0x38;
	[tilespmem:$0x1F700] =	vst v63  }
0x3b: {  	_ =	swait.ge [sflag:s17], $0x100  }
0x3c: {  	[sflag:s17] =	ssyncset.done $0x0  }
0x3d: {  	[sflag:s17] =	ssyncadd.s32 $0xFFFFFF00  }
0x3e: {  	[tilespmem:s19], [sflag:$0x7] =	stream.strided.gather [hbm4b:s11+s26], $0x100, s18, s26, $0x38;
	[tilespmem:$0x1F700] =	vst v63  }
0x3f: {  	_ =	swait.ge [sflag:s17], $0x100  }
0x40: {  	[sflag:s17] =	ssyncset.done $0x0  }
0x41: {  	s28 =	sadd.s32 $0x100, s10;
	[sflag:s17] =	ssyncadd.s32 $0xFFFFFF00  }
0x42: {  	[tilespmem:s20], [sflag:$0x7] =	stream.linear.gather [hbm4b:s28+s3], $0x80, $0x38;
	[tilespmem:$0x1F700] =	vst v63  }
0x43: {  	_ =	swait.ge [sflag:s17], $0x80  }
0x44: {  	[sflag:s17] =	ssyncset.done $0x0  }
0x45: {  	s28 =	sadd.s32 $0x100, s11;
	[sflag:s17] =	ssyncadd.s32 $0xFFFFFF80  }
0x46: {  	[tilespmem:s21], [sflag:$0x7] =	stream.linear.gather [hbm4b:s28+s3], $0x80, $0x38;
	[tilespmem:$0x1F700] =	vst v63  }
0x47: {  	_ =	swait.ge [sflag:s17], $0x80  }
0x48: {  	[sflag:s17] =	ssyncset.done $0x0  }
0x49: {  	[sflag:s17] =	ssyncadd.s32 $0xFFFFFF80  }
0x4a: {  	[tilespmem:s16], [sflag:$0x1] =	stream.indirect.gather [hbm4b:s4+s19], $0x80, s3, s19, $0xb8;
	[tilespmem:$0x1F700] =	vst v63  }
0x4b: {  	s28 =	simm.s32 $0x1  }
0x4c: {  	[tilespmem:s23], [sflag:$0x2] =	stream.indirect.gather [hbm4b:s4+s22], $0x80, s20, s22, $0xb8;
	[tilespmem:$0x1F700] =	vst v63  }
.LBB2_4:
0x4d: {  	_ =	swait.ge [sflag:s24], $0x8000  }
0x4e: {  	p0 =	seq.s32 s26, $0xE00;
	[sflag:s24] =	ssyncset.done $0x0  }
0x4f: {  	s29 =	simm.s32 @p0 $0x100;
	s30 =	simm.s32 @p0 $0x300;
	[sflag:s24] =	ssyncadd.s32 $0xFFFF8000  }
0x50: {  	[spmem:s2] =	stream.indirect.scatter.add.f32 @p0 [tilespmem:s30], [sflag:$0x7], $0x80, s29, s29, $0xb8;
	[tilespmem:$0x1F700] =	vst v63  }
0x51: {  	s29 =	simm.s32 @p0 $0x7  }
0x52: {  	s30 =	sshrl.u32 @!p0 s28, $0x3;
	_ =	swait.ge @p0 [sflag:s29], $0x8000  }
0x53: {  	s30 =	smul.u32 @!p0 $0xC00, s30;
	[sflag:s29] =	ssyncset.done @p0 $0x0  }
0x54: {  	s31 =	sand.u32 @!p0 $0x380, s26;
	[sflag:s29] =	ssyncadd.s32 @p0 $0xFFFF8000;
	s29 =	simm.s32 @p0 $0x2  }
0x55: {  	s1 =	simm.s32 @!p0 $0x400;
	s30 =	sor.u32 @!p0 s31, s30;
	_ =	swait.ge @p0 [sflag:s29], $0x3800  }
0x56: {  	s0 =	simm.s32 @!p0 $0x0;
	s30 =	sshrl.u32 @!p0 s30, $0x3;
	[sflag:s29] =	ssyncset.done @p0 $0x0  }
0x57: {  	s31 =	simm.s32 @!p0 $0x80;
	[sflag:s29] =	ssyncadd.s32 @p0 $0xFFFFC800;
	s29 =	sadd.s32 @!p0 s10, s30  }
0x58: {  	[tilespmem:s0], [sflag:$0x3] =	stream.strided.gather @!p0 [hbm4b:s29+s31], $0x100, s1, s31, $0x38;
	[tilespmem:$0x1F700] =	vst v63  }
0x59: {  	s6 =	simm.s32 @!p0 $0x100;
	s8 =	simm.s32 @!p0 $0x300;
	s12 =	simm.s32 @!p0 $0x7  }
0x5a: {  	[spmem:s2] =	stream.indirect.scatter.add.f32 @!p0 [tilespmem:s8], [sflag:$0x7], $0x80, s6, s6, $0xb8;
	[tilespmem:$0x1F700] =	vst v63  }
0x5b: {  	_ =	swait.ge @!p0 [sflag:s12], $0x8000  }
0x5c: {  	[sflag:s12] =	ssyncset.done @!p0 $0x0  }
0x5d: {  	[sflag:s12] =	ssyncadd.s32 @!p0 $0xFFFF8000;
	s12 =	sadd.s32 @!p0 s11, s30  }
0x5e: {  	[tilespmem:s6], [sflag:$0x5] =	stream.strided.gather @!p0 [hbm4b:s12+s31], $0x100, s1, s31, $0x38;
	[tilespmem:$0x1F700] =	vst v63  }
0x5f: {  	s1 =	simm.s32 @!p0 $0x3  }
0x60: {  	_ =	swait.ge @!p0 [sflag:s1], $0x100  }
0x61: {  	[sflag:s1] =	ssyncset.done @!p0 $0x0  }
0x62: {  	[sflag:s1] =	ssyncadd.s32 @!p0 $0xFFFFFF00;
	s1 =	simm.s32 @!p0 $0x5  }
0x63: {  	[tilespmem:s8], [sflag:$0x1] =	stream.indirect.gather @!p0 [hbm4b:s4+s6], $0x80, s0, s6, $0xb8;
	[tilespmem:$0x1F700] =	vst v63  }
0x64: {  	_ =	swait.ge @!p0 [sflag:s1], $0x100  }
0x65: {  	[sflag:s1] =	ssyncset.done @!p0 $0x0  }
0x66: {  	[sflag:s1] =	ssyncadd.s32 @!p0 $0xFFFFFF00;
	s1 =	simm.s32 @!p0 $0x2  }
0x67: {  	_ =	swait.ge @!p0 [sflag:s1], $0x3800  }
0x68: {  	[sflag:s1] =	ssyncset.done @!p0 $0x0  }
0x69: {  	s6 =	simm.s32 @!p0 $0x200;
	[sflag:s1] =	ssyncadd.s32 @!p0 $0xFFFFC800;
	s1 =	sadd.s32 @!p0 $0x100, s29  }
0x6a: {  	[tilespmem:s6], [sflag:$0x4] =	stream.linear.gather @!p0 [hbm4b:s1+s0], $0x80, $0x38;
	[tilespmem:$0x1F700] =	vst v63  }
0x6b: {  	_ = 	snop  }
0x6c: {  	[spmem:s2] =	stream.indirect.scatter.add.f32 [tilespmem:s23], [sflag:$0x7], $0x80, s21, s22, $0xb8;
	[tilespmem:$0x1F700] =	vst v63  }
0x6d: {  	_ =	swait.ge [sflag:s17], $0x3800  }
0x6e: {  	[sflag:s17] =	ssyncset.done $0x0  }
0x6f: {  	s8 =	simm.s32 @!p0 $0x280;
	s1 =	sadd.s32 @!p0 $0x100, s12;
	[sflag:s17] =	ssyncadd.s32 $0xFFFFC800  }
0x70: {  	[tilespmem:s8], [sflag:$0x6] =	stream.linear.gather @!p0 [hbm4b:s1+s0], $0x80, $0x38;
	[tilespmem:$0x1F700] =	vst v63  }
0x71: {  	s28 =	sadd.s32 @!p0 $0x1, s28;
	s0 =	simm.s32 @!p0 $0x4  }
0x72: {  	p1 =	sne.s32 @!p0 s28, $0x1D;
	_ =	swait.ge @!p0 [sflag:s0], $0x80  }
0x73: {  	p1 =	por p0, !p1;
	[sflag:s0] =	ssyncset.done @!p0 $0x0  }
0x74: {  	s1 =	simm.s32 @!p0 $0x8300;
	[sflag:s0] =	ssyncadd.s32 @!p0 $0xFFFFFF80;
	s0 =	simm.s32 @!p0 $0x70  }
0x75: {  	[tilespmem:s1], [sflag:$0x2] =	stream.indirect.gather @!p0 [hbm4b:s4+s0], $0x80, s6, s0, $0xb8;
	[tilespmem:$0x1F700] =	vst v63  }
.Ltmp1:
0x76: {  	_ = 	snop;
	(pc) =	sbr.rel @!p1 .LBB2_4-.Ltmp1, $4  }
0x77: {  	s0 =	simm.s32 @!p0 $0x6  }
0x78: {  	_ =	swait.ge @!p0 [sflag:s0], $0x80  }
0x79: {  	[sflag:s0] =	ssyncset.done @!p0 $0x0  }
0x7a: {  	s26 =	sadd.s32 @!p0 $0x80, s26;
	[sflag:s0] =	ssyncadd.s32 @!p0 $0xFFFFFF80  }
0x7b: {  	[bflag:$0x0] =	sbarrier.arrive $0xFFFF  }
0x7c: {  	[tilespmem:s16], [sflag:$0x7] =	stream.linear.gather [spmem:s5], $0x8000, $0x38;
	[tilespmem:$0x1F700] =	vst v63  }
0x7d: {  	_ =	swait.ge [sflag:s17], $0x8000  }
0x7e: {  	[sflag:s17] =	ssyncset.done $0x0  }
0x7f: {  	s0 =	rddreg [dreg:$0x5];
	[sflag:s17] =	ssyncadd.s32 $0xFFFF8000  }
0x80: {  	[hbm4b:s0+s3] =	stream.linear.scatter [tilespmem:s16], [sflag:$0x7], $0x8000, $0x38;
	[tilespmem:$0x1F700] =	vst v63  }
0x81: {  	_ =	swait.ge [sflag:s17], $0x8000  }
0x82: {  	[sflag:s17] =	ssyncset.done $0x0  }
0x83: {  	[sflag:s17] =	ssyncadd.s32 $0xFFFF8000  }
0x84: {  	[tilespmem:s16], [sflag:$0x7] =	stream.linear.gather [spmem:s7], $0x8000, $0x38;
	[tilespmem:$0x1F700] =	vst v63  }
0x85: {  	_ =	swait.ge [sflag:s17], $0x8000  }
0x86: {  	[sflag:s17] =	ssyncset.done $0x0  }
0x87: {  	[sflag:s17] =	ssyncadd.s32 $0xFFFF8000  }
0x88: {  	[hbm4b:s13+s3] =	stream.linear.scatter [tilespmem:s16], [sflag:$0x7], $0x8000, $0x38;
	[tilespmem:$0x1F700] =	vst v63  }
0x89: {  	_ =	swait.ge [sflag:s17], $0x8000  }
0x8a: {  	[sflag:s17] =	ssyncset.done $0x0  }
0x8b: {  	[sflag:s17] =	ssyncadd.s32 $0xFFFF8000  }
0x8c: {  	[tilespmem:s16], [sflag:$0x7] =	stream.linear.gather [spmem:s9], $0x3C00, $0x38;
	[tilespmem:$0x1F700] =	vst v63  }
0x8d: {  	s25 =	sadd.s32 $0x1, s25;
	_ =	swait.ge [sflag:s17], $0x3C00  }
0x8e: {  	p0 =	sne.s32 s25, s15;
	[sflag:s17] =	ssyncset.done $0x0  }
.Ltmp2:
0x8f: {  	[sflag:s17] =	ssyncadd.s32 $0xFFFFC400;
	(pc) =	sbr.rel @p0 .LBB2_1-.Ltmp2, $4  }
0x90: {  	[hbm4b:s14+s3] =	stream.linear.scatter [tilespmem:s16], [sflag:$0x7], $0x3C00, $0x38;
	[tilespmem:$0x1F700] =	vst v63  }
0x91: {  	_ =	swait.ge [sflag:s17], $0x3C00  }
0x92: {  	[sflag:s17] =	ssyncset.done $0x0  }
0x93: {  	[sflag:s17] =	ssyncadd.s32 $0xFFFFC400  }
0x94: {  	_ =	sfence.sel $0x180000  }
0x95: {  	[bflag:$0x0] =	sbarrier.arrive $0xFFFF  }
0x96: {  	_ =	strace $0x9000004A  }
0x97: {  	s0 =	stileid.u32;
	[bflag:$0x2] =	sbarrier.arrive $0xFFFF  }
0x98: {  	p0 =	sne.s32 s0, $0x0;
	s0 =	rddreg [dreg:$0x2]  }
0x99: {  	s0 =	sadd.s32 @!p0 $0x100000, s0  }
0x9a: {  	[sflag:s0] =	ssyncadd.tile.s32 @!p0 $0x1;
	_ =	shalt  }
.Lfunc_end2:
_tile_overlayer_lowered:
.L_overlay_start_2:
0x9b: {  	(tag) =	ssettag $0x2  }
0x9c: {  	s0 =	rddreg [dreg:$0x0];
	s2 =	stileid.u32  }
0x9d: {  	s1 =	rddreg [dreg:$0x1];
	p0 =	sne.s32 s2, $0x0  }
0x9e: {  	s3 =	rddreg [dreg:$0x2];
	[bflag:$0x3] =	sbarrier.arrive $0xFFFF;
	s2 =	simm.s32 @!p0 $0x1C07  }
0x9f: {  	[timem:s3], [sflag:s2] =	dma.local @!p0 [hbm:s0], s1  }
0xa0: {  	s0 =	simm.s32 @!p0 $0x7  }
0xa1: {  	_ =	swait.ge @!p0 [sflag:s0], s1  }
0xa2: {  	s1 =	ssub.s32 @!p0 $0x0, s1;
	[sflag:s0] =	ssyncset.done @!p0 $0x0  }
0xa3: {  	[sflag:s0] =	ssyncadd.s32 @!p0 s1  }
0xa4: {  	[bflag:$0x3] =	sbarrier.arrive $0xFFFF  }
0xa5: {  	_ =	shalt  }

// kernel: kernel.7.cloned.1.call-start
scs
__scs_entry_jumppad:
0x0: {  	(pc) =	sbr.rel $0x88, $3  }
0x1: {  	(tag) =	ssettag $0x0;
	lr =	simm.s32 $0x1  }
0x2: {  	[smem:$0x3F97] =	sst lr;
	_ =	strace $0xD0000000  }
0x3: {  	_ = 	snop  }
0x4: {  	_ = 	snop  }
0x5: {  	_ = 	snop  }
0x6: {  	_ = 	snop  }
0x7: {  	_ = 	snop  }
__scs_overlays_trampoline_lowered:
0x8: {  	[smem:$0x3FA6] =	sst s0  }
0x9: {  	[smem:$0x3FA7] =	sst s1  }
0xa: {  	[smem:$0x3FA8] =	sst s2  }
0xb: {  	[smem:$0x3FA9] =	sst s3  }
0xc: {  	[smem:$0x3FAA] =	sst s4  }
0xd: {  	[smem:$0x3FAB] =	sst s5  }
0xe: {  	[smem:$0x3FAC] =	sst s6  }
0xf: {  	[smem:$0x3FAD] =	sst s7  }
0x10: {  	[smem:$0x3FAE] =	sst s8  }
0x11: {  	[smem:$0x3FAF] =	sst s9;
	s0 =	simm.s32 @!p0 $0x0  }
0x12: {  	s1 =	sld [smem:$0x3F95];
	s0 =	simm.s32 @p0 $0x1  }
0x13: {  	[smem:$0x3FB0] =	sst s0;
	s0 =	simm.s32 @!p1 $0x0  }
0x14: {  	s2 =	sld [smem:$0x3F94];
	s0 =	simm.s32 @p1 $0x1  }
0x15: {  	[smem:$0x3FB1] =	sst s0;
	s0 =	simm.s32 @!p2 $0x0  }
0x16: {  	s3 =	sld [smem:$0x3FDB];
	s0 =	simm.s32 @p2 $0x1  }
0x17: {  	s4 =	simm.s32 $0x1BF5;
	[smem:$0x3FB3] =	sst s0  }
0x18: {  	s0 =	sld [smem:$0x3F96];
	_ =	swait.ge [sflag:s4], $0x0  }
0x19: {  	s7 =	sld [smem:$0x3F97]  }
0x1a: {  	s8 =	sadd.s32 $0xFFFFE003, lr  }
0x1b: {  	s9 =	sadd.s32 $0xFFFFFEF7, lr;
	s5 =	simm.s32 $0xFFFFFFFF;
	p2 =	slt.u32 s8, $0xFFFFF086  }
0x1c: {  	p1 =	slt.u32 s9, $0xF7A;
	s5 =	simm.s32 @!p2 $0x0  }
0x1d: {  	s5 =	simm.s32 @p1 $0x1;
	p0 =	seq.s32 s7, s2  }
0x1e: {  	s7 =	smul.u32 @!p0 $0xF7A, s2;
	p2 =	seq.s32 @!p0 s5, $0x0  }
0x1f: {  	s9 =	smul.u32 $0xF7A, s1;
	s8 =	simm.s32 @!p0 $0x1BF5;
	p2 =	por !p2, p0  }
0x20: {  	[sflag:s8] =	ssyncset.s32 @!p0 $0xFFFFF086;
	s6 =	sadd.s32 @!p0 s3, s7;
	s7 =	simm.s32 @!p0 $0x108  }
0x21: {  	s3 =	sadd.s32 s3, s9;
	s6 =	sadd.s32 @!p0 $0x88, s6;
	s7 =	simm.s32 @p2 $0x1082  }
0x22: {  	[simem:s7], [sflag:s8] =	dma.local @!p0 [hbm:s6], $0xF7A  }
0x23: {  	s9 =	sor.u32 $0xD0000000, s2;
	s6 =	simm.s32 $0x108;
	_ =	swait.ge @!p0 [sflag:s8], $0x0  }
0x24: {  	s3 =	sadd.s32 $0x88, s3;
	s6 =	simm.s32 @!p1 $0x1082;
	[sflag:s4] =	ssyncset.s32 $0xFFFFF086  }
0x25: {  	[simem:s6], [sflag:s4] =	dma.local [hbm:s3], $0xF7A  }
0x26: {  	[smem:$0x3F97] =	sst s1;
	(tag) =	ssettag s2;
	_ =	strace s9  }
0x27: {  	s1 =	sld [smem:$0x3FA7]  }
0x28: {  	s2 =	sld [smem:$0x3FA8]  }
0x29: {  	s4 =	sld [smem:$0x3FAA]  }
0x2a: {  	p0 =	seq.s32 s5, $0x0;
	s5 =	sld [smem:$0x3FAB]  }
0x2b: {  	s6 =	sld [smem:$0x3FAC]  }
0x2c: {  	s7 =	sld [smem:$0x3FAD]  }
0x2d: {  	s3 =	simm.s32 $0x108;
	s8 =	sld [smem:$0x3FAE]  }
0x2e: {  	s3 =	simm.s32 @!p0 $0x1082;
	s9 =	sld [smem:$0x3FAF]  }
0x2f: {  	lr =	sadd.s32 s0, s3;
	s0 =	sld [smem:$0x3FA6]  }
0x30: {  	s3 =	sld [smem:$0x3FA9]  }
0x31: {  	[smem:$0x3FB2] =	sst s10  }
0x32: {  	s10 =	sld [smem:$0x3FB0];
	_ =	sdelay $0x3  }
0x33: {  	p0 =	seq.s32 s10, $0x1;
	s10 =	sld [smem:$0x3FB2];
	_ =	sdelay $0x3  }
0x34: {  	[smem:$0x3FB2] =	sst s10  }
0x35: {  	s10 =	sld [smem:$0x3FB1];
	_ =	sdelay $0x3  }
0x36: {  	p1 =	seq.s32 s10, $0x1;
	s10 =	sld [smem:$0x3FB2];
	_ =	sdelay $0x3  }
0x37: {  	[smem:$0x3FB2] =	sst s10  }
0x38: {  	s10 =	sld [smem:$0x3FB3]  }
0x39: {  	_ = 	snop;
	(pc) =	sbr.ind lr, $3  }
0x3a: {  	_ = 	snop  }
0x3b: {  	_ = 	snop  }
0x3c: {  	p2 =	seq.s32 s10, $0x1;
	s10 =	sld [smem:$0x3FB2]  }
0x3d: {  	_ =	shalt  }
0x3e: {  	_ =	shalt  }
0x3f: {  	_ =	shalt  }
0x40: {  	_ =	shalt  }
0x41: {  	_ =	shalt  }
0x42: {  	_ =	shalt  }
0x43: {  	_ =	shalt  }
0x44: {  	_ =	shalt  }
0x45: {  	_ =	shalt  }
0x46: {  	_ =	shalt  }
0x47: {  	_ =	shalt  }
0x48: {  	_ =	shalt  }
0x49: {  	_ =	shalt  }
0x4a: {  	_ =	shalt  }
0x4b: {  	_ =	shalt  }
0x4c: {  	_ =	shalt  }
0x4d: {  	_ =	shalt  }
0x4e: {  	_ =	shalt  }
0x4f: {  	_ =	shalt  }
0x50: {  	_ =	shalt  }
0x51: {  	_ =	shalt  }
0x52: {  	_ =	shalt  }
0x53: {  	_ =	shalt  }
0x54: {  	_ =	shalt  }
0x55: {  	_ =	shalt  }
0x56: {  	_ =	shalt  }
0x57: {  	_ =	shalt  }
0x58: {  	_ =	shalt  }
0x59: {  	_ =	shalt  }
0x5a: {  	_ =	shalt  }
0x5b: {  	_ =	shalt  }
0x5c: {  	_ =	shalt  }
0x5d: {  	_ =	shalt  }
0x5e: {  	_ =	shalt  }
0x5f: {  	_ =	shalt  }
0x60: {  	_ =	shalt  }
0x61: {  	_ =	shalt  }
0x62: {  	_ =	shalt  }
0x63: {  	_ =	shalt  }
0x64: {  	_ =	shalt  }
0x65: {  	_ =	shalt  }
0x66: {  	_ =	shalt  }
0x67: {  	_ =	shalt  }
0x68: {  	_ =	shalt  }
0x69: {  	_ =	shalt  }
0x6a: {  	_ =	shalt  }
0x6b: {  	_ =	shalt  }
0x6c: {  	_ =	shalt  }
0x6d: {  	_ =	shalt  }
0x6e: {  	_ =	shalt  }
0x6f: {  	_ =	shalt  }
0x70: {  	_ =	shalt  }
0x71: {  	_ =	shalt  }
0x72: {  	_ =	shalt  }
0x73: {  	_ =	shalt  }
0x74: {  	_ =	shalt  }
0x75: {  	_ =	shalt  }
0x76: {  	_ =	shalt  }
0x77: {  	_ =	shalt  }
0x78: {  	_ =	shalt  }
0x79: {  	_ =	shalt  }
0x7a: {  	_ =	shalt  }
0x7b: {  	_ =	shalt  }
0x7c: {  	_ =	shalt  }
0x7d: {  	_ =	shalt  }
0x7e: {  	_ =	shalt  }
0x7f: {  	_ =	shalt  }
0x80: {  	_ =	shalt  }
0x81: {  	_ =	shalt  }
0x82: {  	_ =	shalt  }
0x83: {  	_ =	shalt  }
0x84: {  	_ =	shalt  }
0x85: {  	_ =	shalt  }
0x86: {  	_ =	shalt  }
0x87: {  	_ =	shalt  }
.Lfunc_end0:
.L_simem_size_0:
called_computation_lowered:
.L_overlay_start_0:
0x88: {  	s2 =	sld [smem:$0x3FD9]  }
0x89: {  	s3 =	sld [smem:$0x3FFE];
	_ =	sdelay $0x1  }
0x8a: {  	s1 =	srdreg.scid  }
0x8b: {  	s0 =	sand.u32 $0x1, s1  }
0x8c: {  	s16 =	sshll.u32 s0, $0xA;
	s2 =	sadd.s32 s3, s2  }
0x8d: {  	s2 =	sadd.s32 s2, s16  }
0x8e: {  	[smem:$0x3FBE] =	sst s2  }
0x8f: {  	_ = 	snop  }
0x90: {  	(tm) =	ssettm $0x1  }
0x91: {  	s17 =	sld [smem:$0x3FFB];
	_ =	sdelay $0x3  }
0x92: {  	_ =	strace s17  }
0x93: {  	s2 =	sld [smem:$0x3FFC];
	_ =	sdelay $0x3  }
0x94: {  	_ =	strace s2  }
0x95: {  	s2 =	sld [smem:$0x3FFD];
	_ =	sdelay $0x3  }
0x96: {  	_ =	strace s2  }
0x97: {  	_ =	strace $0x8FFFFFFF  }
0x98: {  	s18 =	sld [smem:$0x3FDB];
	_ =	sdelay $0x1  }
0x99: {  	s19 =	simm.s32 $_scs_section_size  }
0x9a: {  	s4 =	simm.s32 $_size__tile_overlayer_lowered;
	s5 =	simm.s32 $_tile_overlayer_lowered  }
0x9b: {  	s22 =	simm.s32 $0x1BFF;
	s21 =	sshll.u32 s5, $0x1;
	s2 =	sadd.s32 s19, s18  }
0x9c: {  	s6 =	simm.s32 $0x0;
	s20 =	sshll.u32 s4, $0x1;
	s4 =	sadd.s32 s21, s2  }
0x9d: {  	[timem:s6], [sflag:s22] =	dma.local [hbm:s4], s20  }
0x9e: {  	_ =	swait.ge [sflag:s22], s20  }
0x9f: {  	s3 =	ssub.s32 $0x0, s20;
	[sflag:s22] =	ssyncset.done $0x0  }
0xa0: {  	[sflag:s22] =	ssyncadd.s32 s3;
	_ =	sdelay $0x1  }
0xa1: {  	s23 =	simm.s32 $0x1B8B  }
0xa2: {  	_ =	swait.ge [sflag:s23], $0x1  }
0xa3: {  	[sflag:s23] =	ssyncset.done $0x0  }
0xa4: {  	s25 =	simm.s32 $0x1B8E;
	s24 =	sld [smem:$0x3FFE];
	[sflag:s23] =	ssyncadd.s32 $0xFFFFFFFF  }
0xa5: {  	s26 =	simm.s32 $execute0_lowered;
	[smem:$0x3FD2] =	sst s25  }
0xa6: {  	s4 =	sshll.u32 s26, $0x1;
	_ =	strace $0x80000046;
	[dreg:$0x1] =	wrdreg $0xFFFFFFFF  }
0xa7: {  	s28 =	simm.s32 $_size_execute0_lowered;
	s2 =	sadd.s32 s2, s4;
	[dreg:$0x0] =	wrdreg $0x0  }
0xa8: {  	s4 =	sshll.u32 s28, $0x1;
	[dreg:$0x2] =	wrdreg s2  }
0xa9: {  	[dreg:$0x3] =	wrdreg s4  }
0xaa: {  	[dreg:$0x4] =	wrdreg $0xC0  }
0xab: {  	_ =	task [dreg:s6], $0x5FFFF  }
0xac: {  	[dreg:$0x1] =	wrdreg $0xFFFFFFFF  }
0xad: {  	[dreg:$0x0] =	wrdreg $0x60  }
0xae: {  	[dreg:$0x2] =	wrdreg s24  }
0xaf: {  	[dreg:$0x3] =	wrdreg $0x2B000  }
0xb0: {  	[dreg:$0x4] =	wrdreg $0x9  }
0xb1: {  	_ =	task.clear_ibuf [dreg:s6], $0x5FFFF;
	_ =	strace $0x90000046  }
0xb2: {  	s29 =	simm.s32 $0x9;
	_ =	strace $0x80000048  }
0xb3: {  	_ =	swait.ge [sflag:s29], $0x1  }
0xb4: {  	[sflag:s29] =	ssyncadd.s32 $0xFFFFFFFF  }
0xb5: {  	_ =	strace $0x90000048  }
0xb6: {  	_ =	sfence  }
0xb7: {  	s30 =	sld [smem:$0x0];
	_ =	sdelay $0x2  }
0xb8: {  	s31 =	sshll.u32 s1, $0xD;
	s1 =	sshrl.u32 s1, $0x2  }
0xb9: {  	s3 =	sand.u32 $0x4000, s31;
	s1 =	sadd.s32 s1, s30  }
0xba: {  	s0 =	sor.u32 s3, s0;
	s1 =	sshll.u32 s1, $0x11  }
0xbb: {  	s0 =	sor.u32 s1, s0  }
0xbc: {  	s0 =	sadd.s32 $0x8F2B, s0  }
0xbd: {  	[sflag:s0] =	ssyncadd.remote.s32 $0x1  }
0xbe: {  	_ =	sfence.sel $0xFFFF  }
0xbf: {  	[dreg:$0x0] =	wrdreg $0xFFFFFFFF;
	(pc) =	sbr.abs _section_cstart, $3  }
0xc0: {  	[dreg:$0x1] =	wrdreg $0xFFFFFFFF  }
0xc1: {  	_ =	task.clear_ibuf [dreg:s6], $0x2FFFF;
	_ =	strace $0x9FFFFFFF  }
0xc2: {  	(tm) =	ssettm $0x7FFFFFFF  }
0xc3: {  	_ =	shalt  }
tec
execute0_lowered:
.L_overlay_start_1:
0x0: {  	(tag) =	ssettag $0x1  }
0x1: {  	s5 =	rddreg [dreg:$0x0];
	s1 =	srdreg.scid  }
0x2: {  	s0 =	stileid.u32;
	s2 =	rddreg [dreg:$0x1];
	s3 =	simm.s32 $0x0  }
0x3: {  	s11 =	simm.s32 $0x2800;
	s4 =	sand.u32 $0x1, s1;
	s1 =	rddreg [dreg:$0x2]  }
0x4: {  	s12 =	simm.s32 $0x0;
	s6 =	smul.u32 $0x278, s0;
	[smem:$0x7FF] =	sst s3  }
0x5: {  	s8 =	sshll.u32 s0, $0x1;
	s7 =	smul.u32 $0x2780, s4;
	s9 =	ssub.s32 $0x2, s4  }
0x6: {  	s4 =	sor.u32 s4, s8;
	_ =	strace $0x80000047;
	s31 =	sshrl.u32 s9, $0x1  }
0x7: {  	s10 =	smul.u32 $0x500, s4;
	s4 =	sadd.s32 s6, s2;
	s7 =	sadd.s32 s6, s7  }
0x8: {  	s8 =	ssub.s32 s9, s31;
	s9 =	simm.s32 $0x1;
	s7 =	sshrl.u32 s7, $0x3  }
0x9: {  	s7 =	sadd.s32 s7, s5;
	s5 =	sadd.s32 s5, s10;
	s10 =	simm.s32 $0x80  }
0xa: {  	v0 =	vimm.f32 $1.000000000e+00;
	v1 =	vimm.f32 $0.0e+00;
	s6 =	sadd.s32 $0xA000, s7;
	s7 =	smax.u32 s8, $0x1;
	s8 =	simm.s32 $0x2880  }
.LBB2_1:
0xb: {  	[tilespmem:$0x2800] =	vst v0  }
0xc: {  	[tilespmem:$0x2810] =	vst v0  }
0xd: {  	[tilespmem:$0x2820] =	vst v0  }
0xe: {  	[tilespmem:$0x2830] =	vst v0  }
0xf: {  	[tilespmem:$0x2840] =	vst v0  }
0x10: {  	[tilespmem:$0x2850] =	vst v0  }
0x11: {  	[tilespmem:$0x2860] =	vst v0  }
0x12: {  	[tilespmem:$0x2870] =	vst v0  }
0x13: {  	[tilespmem:$0x2880] =	vst v1  }
0x14: {  	[tilespmem:$0x2890] =	vst v1  }
0x15: {  	[tilespmem:$0x28A0] =	vst v1  }
0x16: {  	[tilespmem:$0x28B0] =	vst v1  }
0x17: {  	[tilespmem:$0x28C0] =	vst v1  }
0x18: {  	[tilespmem:$0x28D0] =	vst v1  }
0x19: {  	[tilespmem:$0x28E0] =	vst v1  }
0x1a: {  	[tilespmem:$0x28F0] =	vst v1  }
0x1b: {  	[tilespmem:$0x2900] =	vst v1  }
0x1c: {  	[tilespmem:$0x2910] =	vst v1  }
0x1d: {  	[tilespmem:$0x2920] =	vst v1  }
0x1e: {  	[tilespmem:$0x2930] =	vst v1  }
0x1f: {  	[tilespmem:$0x2940] =	vst v1  }
0x20: {  	[tilespmem:$0x2950] =	vst v1  }
0x21: {  	[tilespmem:$0x2960] =	vst v1  }
0x22: {  	[tilespmem:$0x2970] =	vst v1  }
0x23: {  	[tilespmem:$0x2980] =	vst v1  }
0x24: {  	[tilespmem:$0x2990] =	vst v1  }
0x25: {  	[tilespmem:$0x29A0] =	vst v1  }
0x26: {  	[tilespmem:$0x29B0] =	vst v1  }
0x27: {  	[tilespmem:$0x29C0] =	vst v1  }
0x28: {  	[tilespmem:$0x29D0] =	vst v1  }
0x29: {  	[tilespmem:$0x29E0] =	vst v1  }
0x2a: {  	[tilespmem:$0x29F0] =	vst v1  }
0x2b: {  	[tilespmem:$0x2A00] =	vst v1  }
0x2c: {  	[tilespmem:$0x2A10] =	vst v1  }
0x2d: {  	[tilespmem:$0x2A20] =	vst v1  }
0x2e: {  	[tilespmem:$0x2A30] =	vst v1  }
0x2f: {  	[tilespmem:$0x2A40] =	vst v1  }
0x30: {  	[tilespmem:$0x2A50] =	vst v1  }
0x31: {  	[tilespmem:$0x2A60] =	vst v1  }
0x32: {  	[tilespmem:$0x2A70] =	vst v1  }
0x33: {  	[tilespmem:$0x2A80] =	vst v1  }
0x34: {  	[tilespmem:$0x2A90] =	vst v1  }
0x35: {  	[tilespmem:$0x2AA0] =	vst v1  }
0x36: {  	[tilespmem:$0x2AB0] =	vst v1  }
0x37: {  	[tilespmem:$0x2AC0] =	vst v1  }
0x38: {  	[tilespmem:$0x2AD0] =	vst v1  }
0x39: {  	[tilespmem:$0x2AE0] =	vst v1  }
0x3a: {  	[tilespmem:$0x2AF0] =	vst v1  }
0x3b: {  	[spmem:s4] =	stream.linear.scatter [tilespmem:s8], [sflag:$0x1], $0x278, $0x38;
	[tilespmem:$0x2D78] =	vst v63  }
0x3c: {  	_ =	swait.ge [sflag:s9], $0x278  }
0x3d: {  	[sflag:s9] =	ssyncset.done $0x0  }
0x3e: {  	[sflag:s9] =	ssyncadd.s32 $0xFFFFFD88  }
0x3f: {  	[bflag:$0x0] =	sbarrier.arrive $0xFFFF  }
0x40: {  	[tilespmem:s3], [sflag:$0x1] =	stream.linear.gather [hbm4b:s5+s3], $0x2780, $0x38;
	[tilespmem:$0x2D78] =	vst v63  }
0x41: {  	_ =	swait.ge [sflag:s9], $0x2780  }
0x42: {  	[sflag:s9] =	ssyncset.done $0x0  }
0x43: {  	s13 =	simm.s32 $0x0;
	[sflag:s9] =	ssyncadd.s32 $0xFFFFD880  }
0x44: {  	[spmem:s2] =	stream.indirect.scatter.add.f32 [tilespmem:s11], [sflag:$0x1], $0x1, s13, s10, $0xb8;
	[tilespmem:$0x2D78] =	vst v63  }
0x45: {  	_ =	swait.ge [sflag:s9], $0x80  }
0x46: {  	s13 =	simm.s32 $0x200;
	[sflag:s9] =	ssyncset.done $0x0  }
.LBB2_2:
0x47: {  	s14 =	sshra.s32 s13, $0x2;
	[sflag:s9] =	ssyncadd.s32 $0xFFFFFF80;
	p0 =	sne.s32 s13, $0x9C00  }
0x48: {  	[spmem:s2] =	stream.indirect.scatter.add.f32 [tilespmem:s11], [sflag:$0x1], $0x1, s14, s10, $0xb8;
	[tilespmem:$0x2D78] =	vst v63  }
.Ltmp0:
0x49: {  	_ = 	snop;
	(pc) =	sbr.rel @p0 .LBB2_2-.Ltmp0, $4  }
0x4a: {  	_ = 	snop  }
0x4b: {  	s13 =	sadd.s32 $0x200, s13  }
0x4c: {  	_ =	swait.ge [sflag:s9], $0x80  }
0x4d: {  	[sflag:s9] =	ssyncset.done $0x0  }
0x4e: {  	[sflag:s9] =	ssyncadd.s32 $0xFFFFFF80  }
0x4f: {  	[bflag:$0x0] =	sbarrier.arrive $0xFFFF  }
0x50: {  	[tilespmem:s8], [sflag:$0x1] =	stream.linear.gather [spmem:s4], $0x278, $0x38;
	[tilespmem:$0x2D78] =	vst v63  }
0x51: {  	s12 =	sadd.s32 $0x1, s12;
	_ =	swait.ge [sflag:s9], $0x278  }
0x52: {  	p0 =	sne.s32 s12, s7;
	[sflag:s9] =	ssyncset.done $0x0  }
.Ltmp1:
0x53: {  	[sflag:s9] =	ssyncadd.s32 $0xFFFFFD88;
	(pc) =	sbr.rel @p0 .LBB2_1-.Ltmp1, $4  }
0x54: {  	[hbm4b:s6+s3] =	stream.linear.scatter [tilespmem:s8], [sflag:$0x1], $0x278, $0x38;
	[tilespmem:$0x2D78] =	vst v63  }
0x55: {  	_ =	swait.ge [sflag:s9], $0x278  }
0x56: {  	[sflag:s9] =	ssyncset.done $0x0  }
0x57: {  	[sflag:s9] =	ssyncadd.s32 $0xFFFFFD88  }
0x58: {  	_ =	sfence.sel $0x180000  }
0x59: {  	[bflag:$0x0] =	sbarrier.arrive $0xFFFF  }
0x5a: {  	p0 =	sne.s32 s0, $0x0;
	_ =	strace $0x90000047  }
0x5b: {  	s0 =	sadd.s32 @!p0 $0x100000, s1;
	[bflag:$0x2] =	sbarrier.arrive $0xFFFF  }
0x5c: {  	[sflag:s0] =	ssyncadd.tile.s32 @!p0 $0x1;
	_ =	shalt  }
.Lfunc_end2:
_tile_overlayer_lowered:
.L_overlay_start_2:
0x5d: {  	(tag) =	ssettag $0x2  }
0x5e: {  	s0 =	rddreg [dreg:$0x0];
	s2 =	stileid.u32  }
0x5f: {  	s1 =	rddreg [dreg:$0x1];
	p0 =	sne.s32 s2, $0x0  }
0x60: {  	s3 =	rddreg [dreg:$0x2];
	[bflag:$0x3] =	sbarrier.arrive $0xFFFF;
	s2 =	simm.s32 @!p0 $0x1C01  }
0x61: {  	[timem:s3], [sflag:s2] =	dma.local @!p0 [hbm:s0], s1  }
0x62: {  	s0 =	simm.s32 @!p0 $0x1  }
0x63: {  	_ =	swait.ge @!p0 [sflag:s0], s1  }
0x64: {  	s1 =	ssub.s32 @!p0 $0x0, s1;
	[sflag:s0] =	ssyncset.done @!p0 $0x0  }
0x65: {  	[sflag:s0] =	ssyncadd.s32 @!p0 s1  }
0x66: {  	[bflag:$0x3] =	sbarrier.arrive $0xFFFF  }
0x67: {  	_ =	shalt  }

</sc_bundles>
